<compile_context>
chip_gen: v7x
topology: tpu7x:2x2x1
jax: 0.10.2.dev20260603
libtpu: 0.0.44.dev20260713+nightly
codegen_flags: <defaults>
</compile_context>

<pallas_src>
import functools

import jax
import jax.numpy as jnp
from jax import lax
from jax.experimental import pallas as pl
from jax.experimental.pallas import tpu as pltpu
from jax.experimental.pallas import tpu_sc as plsc

B = 4096
N_DENSE = 13
N_SPARSE = 26
VOCAB = 100000
VOCAB_PAD = 100096
NCOL = N_DENSE + N_SPARSE

_info = plsc.get_sparse_core_info()
NC = _info.num_cores
NS = _info.num_subcores
L = _info.num_lanes
NW = NC * NS
BPW = B // NW
NCH = BPW // L

_mesh = plsc.VectorSubcoreMesh(core_axis_name="c", subcore_axis_name="s")


@functools.partial(
    pl.kernel,
    out_type=jax.ShapeDtypeStruct((B,), jnp.float32),
    mesh=_mesh,
    scratch_types=[
        pltpu.VMEM((NCOL, BPW), jnp.float32),
        pltpu.VMEM((L,), jnp.float32),
        pltpu.VMEM((N_SPARSE * BPW,), jnp.int32),
        pltpu.VMEM((N_SPARSE * BPW,), jnp.float32),
        pltpu.VMEM((BPW,), jnp.float32),
        pltpu.SemaphoreType.DMA,
    ],
)
def _sc_linear(x_hbm, tab_hbm, w_hbm, out_hbm, xv, wv, idxv, valsv, outv, sem):
    wid = lax.axis_index("s") * NC + lax.axis_index("c")
    base = wid * BPW

    pltpu.sync_copy(x_hbm.at[wid], xv)
    pltpu.sync_copy(w_hbm, wv)

    def build_f(f, _):
        row = N_DENSE + f
        cf = (f // 8) * (782 * 1024) + (f % 8) * 128

        def build_c(c, _):
            ids = xv[row, pl.ds(c * L, L)].astype(jnp.int32)
            idxv[pl.ds(f * BPW + c * L, L)] = cf + (ids >> 7) * 1024 + (ids & 127)
            return 0

        lax.fori_loop(0, NCH, build_c, 0, unroll=True)
        return 0

    BATCHES = ((0, 6), (6, 13), (13, 20), (20, 26))
    for lo, hi in BATCHES:
        lax.fori_loop(lo, hi, build_f, 0)
        n = (hi - lo) * BPW
        pltpu.async_copy(tab_hbm.at[idxv.at[pl.ds(lo * BPW, n)]],
                         valsv.at[pl.ds(lo * BPW, n)], sem)

    wvec = wv[pl.ds(0, L)]

    def dense_c(c, _):
        sl = pl.ds(c * L, L)
        acc = xv[0, sl] * wvec[0]
        for d in range(1, N_DENSE):
            acc = acc + xv[d, sl] * wvec[d]
        outv[sl] = acc
        return 0

    lax.fori_loop(0, NCH, dense_c, 0)

    for lo, hi in BATCHES:
        n = (hi - lo) * BPW
        pltpu.make_async_copy(tab_hbm.at[idxv.at[pl.ds(lo * BPW, n)]],
                              valsv.at[pl.ds(lo * BPW, n)], sem).wait()

    def red_c(c, _):
        sl = pl.ds(c * L, L)
        acc = outv[sl]

        def red_f(f, a):
            return a + valsv[pl.ds(f * BPW + c * L, L)]

        outv[sl] = lax.fori_loop(0, N_SPARSE, red_f, acc)
        return 0

    lax.fori_loop(0, NCH, red_c, 0)

    pltpu.sync_copy(outv, out_hbm.at[pl.ds(base, BPW)])


def kernel(X, tables, W):
    xr = X.reshape(NW, BPW, NCOL).transpose(0, 2, 1)
    z = jnp.pad(tables[:, :, 0], ((0, 6), (0, VOCAB_PAD - VOCAB)))
    tab_flat = z.reshape(4, 8, 782, 128).transpose(0, 2, 1, 3).reshape(-1)
    wp = jnp.pad(W.reshape(-1), (0, L - N_DENSE))
    out = _sc_linear(xr, tab_flat, wp)
    return out.reshape(B, 1)

# --- scband reference (transcript-rebuilt; emitter-appended) ---
"""Pipeline reference for scband-linear-layer-66176856096970 (READ-ONLY COPY).

The authoritative reference and input builder live on the scoring server;
editing this copy changes nothing except your own understanding.
"""

import jax, jax.numpy as jnp
import numpy as np

B = 4096
N_DENSE = 13
N_SPARSE = 26
VOCAB = 100000
INIT_STD = 1e-4


def setup_inputs(seed: int = 0) -> dict:
    key = jax.random.key(seed)
    k1, k2, k3, k4 = jax.random.split(key, 4)
    # X layout matches feature_index: cols [0:13] dense values, cols [13:39] sparse ids stored as floats
    dense_vals = jax.random.uniform(k1, (B, N_DENSE), dtype=jnp.float32)
    sparse_ids = jax.random.randint(k2, (B, N_SPARSE), 0, VOCAB).astype(jnp.float32)
    X = jnp.concatenate([dense_vals, sparse_ids], axis=1)
    # 26 linear embedding tables, embedding_dim=1 (create_embedding_matrix with linear=True)
    tables = jax.random.normal(k3, (N_SPARSE, VOCAB, 1), dtype=jnp.float32) * INIT_STD
    # dense weight [sum(dimensions)=13, 1]
    W = jax.random.normal(k4, (N_DENSE, 1), dtype=jnp.float32) * INIT_STD
    return {"X": X, "tables": tables, "W": W}


def reference(X, tables, W):
    # sparse part: per-field embedding lookup, each yields [B, 1, 1]
    idx = X[:, N_DENSE:N_DENSE + N_SPARSE].astype(jnp.int32)  # [B, 26]
    # gather: tables[f][idx[:, f]] for all fields f -> [B, 26, 1]
    emb = tables[jnp.arange(N_SPARSE)[None, :], idx]
    # torch: cat([B,1,1] x26, dim=-1) -> [B,1,26]; sum(dim=-1) -> [B,1]
    linear_sparse_logit = jnp.sum(jnp.transpose(emb, (0, 2, 1)), axis=-1)  # [B, 1]
    # dense part: cat dense values -> [B,13]; matmul weight -> [B,1]
    linear_dense_logit = X[:, :N_DENSE] @ W  # [B, 1]
    linear_logit = linear_sparse_logit + linear_dense_logit
    return linear_logit

if __name__ == "__main__":
    import jax
    _d = setup_inputs()
    print(jax.jit(kernel)(*tuple(_d.values())))

</pallas_src>

<mosaic_0001>
#map = affine_map<(d0, d1) -> (0, 0, 0)>
#map1 = affine_map<(d0, d1) -> (0)>
module attributes {stable_mosaic.version = 14 : i64} {
  func.func @_sc_linear(%arg0: i32, %arg1: i32, %arg2: memref<32x39x128xf32, #tpu.memory_space<hbm>>, %arg3: memref<3203072xf32, #tpu.memory_space<hbm>>, %arg4: memref<16xf32, #tpu.memory_space<hbm>>, %arg5: memref<4096xf32, #tpu.memory_space<hbm>>, %arg6: memref<39x128xf32, #tpu.memory_space<vmem>>, %arg7: memref<16xf32, #tpu.memory_space<vmem>>, %arg8: memref<3328xi32, #tpu.memory_space<vmem>>, %arg9: memref<3328xf32, #tpu.memory_space<vmem>>, %arg10: memref<128xf32, #tpu.memory_space<vmem>>, %arg11: memref<!tpu.dma_semaphore, #tpu.memory_space<semaphore_mem>>) attributes {dimension_semantics = [#tpu.dimension_semantics<core_parallel>, #tpu.dimension_semantics<subcore_parallel>], iteration_bounds = array<i64: 2, 16>, scalar_prefetch = 0 : i64, scratch_operands = 6 : i64, tpu.core_type = #tpu.core_type<sc_vector_subcore>, window_params = [{transform_indices = #map}, {transform_indices = #map1}, {transform_indices = #map1}, {transform_indices = #map1}]} {
    %mul3A = arith.constant 2 : i32
    %mul3A_0 = arith.muli %arg1, %mul3A : i32
    %add3A = arith.addi %mul3A_0, %arg0 : i32
    %mul3A_1 = arith.constant 128 : i32
    %mul3A_2 = arith.muli %add3A, %mul3A_1 : i32
    "tpu.region"() ({
      %run_scoped3A = tpu.sem_alloc : memref<!tpu.dma_semaphore, #tpu.memory_space<semaphore_mem>>
      %dma_start3A_92 = arith.constant 0 : i32
      %dma_start3A_93 = arith.constant 0 : i32
      %dma_start3A_94 = tpu.memref_slice %arg2[%add3A, %dma_start3A_92, %dma_start3A_93] : memref<32x39x128xf32, #tpu.memory_space<hbm>> -> memref<1x39x128xf32, #tpu.memory_space<hbm>>
      %dma_start3A_95 = tpu.memref_squeeze %dma_start3A_94 : memref<1x39x128xf32, #tpu.memory_space<hbm>> -> memref<39x128xf32, #tpu.memory_space<hbm>>
      %dma_start3A_96 = arith.constant 0 : i32
      %dma_start3A_97 = arith.constant 0 : i32
      %dma_start3A_98 = tpu.memref_slice %arg2[%add3A, %dma_start3A_96, %dma_start3A_97] : memref<32x39x128xf32, #tpu.memory_space<hbm>> -> memref<1x39x128xf32, #tpu.memory_space<hbm>>
      %dma_start3A_99 = tpu.memref_squeeze %dma_start3A_98 : memref<1x39x128xf32, #tpu.memory_space<hbm>> -> memref<39x128xf32, #tpu.memory_space<hbm>>
      tpu.enqueue_dma source(%dma_start3A_99 : memref<39x128xf32, #tpu.memory_space<hbm>>) target(%arg6 : memref<39x128xf32, #tpu.memory_space<vmem>>) target_semaphore(%run_scoped3A : memref<!tpu.dma_semaphore, #tpu.memory_space<semaphore_mem>>)
      %dma_wait3A_100 = arith.constant 0 : i32
      %dma_wait3A_101 = arith.constant 0 : i32
      %dma_wait3A_102 = tpu.memref_slice %arg2[%add3A, %dma_wait3A_100, %dma_wait3A_101] : memref<32x39x128xf32, #tpu.memory_space<hbm>> -> memref<1x39x128xf32, #tpu.memory_space<hbm>>
      %dma_wait3A_103 = tpu.memref_squeeze %dma_wait3A_102 : memref<1x39x128xf32, #tpu.memory_space<hbm>> -> memref<39x128xf32, #tpu.memory_space<hbm>>
      %dma_wait3A_104 = arith.constant 0 : i32
      %dma_wait3A_105 = arith.constant 0 : i32
      %dma_wait3A_106 = tpu.memref_slice %arg2[%add3A, %dma_wait3A_104, %dma_wait3A_105] : memref<32x39x128xf32, #tpu.memory_space<hbm>> -> memref<1x39x128xf32, #tpu.memory_space<hbm>>
      %dma_wait3A_107 = tpu.memref_squeeze %dma_wait3A_106 : memref<1x39x128xf32, #tpu.memory_space<hbm>> -> memref<39x128xf32, #tpu.memory_space<hbm>>
      tpu.wait_dma2 semaphore(%run_scoped3A : memref<!tpu.dma_semaphore, #tpu.memory_space<semaphore_mem>>) src(%dma_wait3A_107 : memref<39x128xf32, #tpu.memory_space<hbm>>) dst(%arg6 : memref<39x128xf32, #tpu.memory_space<vmem>>)
      tpu.yield
    }) : () -> ()
    "tpu.region"() ({
      %run_scoped3A = tpu.sem_alloc : memref<!tpu.dma_semaphore, #tpu.memory_space<semaphore_mem>>
      tpu.enqueue_dma source(%arg4 : memref<16xf32, #tpu.memory_space<hbm>>) target(%arg7 : memref<16xf32, #tpu.memory_space<vmem>>) target_semaphore(%run_scoped3A : memref<!tpu.dma_semaphore, #tpu.memory_space<semaphore_mem>>)
      tpu.wait_dma2 semaphore(%run_scoped3A : memref<!tpu.dma_semaphore, #tpu.memory_space<semaphore_mem>>) src(%arg4 : memref<16xf32, #tpu.memory_space<hbm>>) dst(%arg7 : memref<16xf32, #tpu.memory_space<vmem>>)
      tpu.yield
    }) : () -> ()
    %scan3A = arith.constant 0 : i32
    %scan3A_3 = arith.constant 0 : i32
    %scan3A_4 = arith.constant 6 : i32
    %scan3A_5 = arith.addi %scan3A_3, %scan3A_4 : i32
    %scan3A_6 = arith.constant 1 : i32
    %scan3A_7 = scf.for %scan3A_92 = %scan3A_3 to %scan3A_5 step %scan3A_6 iter_args(%scan3A_93 = %scan3A) -> (i32)  : i32 {
      %add3A_94 = arith.constant 13 : i32
      %add3A_95 = arith.addi %add3A_94, %scan3A_92 : i32
      %jit3A = arith.constant 8 : i32
      %div3A = arith.divsi %scan3A_92, %jit3A : i32
      %sign3A = arith.constant 0 : i32
      %sign3A_96 = arith.cmpi sgt, %scan3A_92, %sign3A : i32
      %sign3A_97 = arith.extui %sign3A_96 : i1 to i32
      %sign3A_98 = arith.constant 0 : i32
      %sign3A_99 = arith.cmpi slt, %scan3A_92, %sign3A_98 : i32
      %sign3A_100 = arith.extui %sign3A_99 : i1 to i32
      %sign3A_101 = arith.subi %sign3A_97, %sign3A_100 : i32
      %sign3A_102 = arith.constant 0 : i32
      %sign3A_103 = arith.cmpi sgt, %jit3A, %sign3A_102 : i32
      %sign3A_104 = arith.extui %sign3A_103 : i1 to i32
      %sign3A_105 = arith.constant 0 : i32
      %sign3A_106 = arith.cmpi slt, %jit3A, %sign3A_105 : i32
      %sign3A_107 = arith.extui %sign3A_106 : i1 to i32
      %sign3A_108 = arith.subi %sign3A_104, %sign3A_107 : i32
      %ne3A = arith.cmpi ne, %sign3A_101, %sign3A_108 : i32
      %rem3A = arith.remsi %scan3A_92, %jit3A : i32
      %ne3A_109 = arith.constant 0 : i32
      %ne3A_110 = arith.cmpi ne, %rem3A, %ne3A_109 : i32
      %and3A = arith.andi %ne3A, %ne3A_110 : i1
      %sub3A = arith.constant 1 : i32
      %sub3A_111 = arith.subi %div3A, %sub3A : i32
      %select_n3A = arith.select %and3A, %sub3A_111, %div3A : i32
      %mul3A_112 = arith.constant 800768 : i32
      %mul3A_113 = arith.muli %select_n3A, %mul3A_112 : i32
      %jit3A_114 = arith.constant 8 : i32
      %eq3A = arith.constant 0 : i32
      %eq3A_115 = arith.cmpi eq, %jit3A_114, %eq3A : i32
      %jit3A_116 = arith.constant 1 : i32
      %select_n3A_117 = arith.select %eq3A_115, %jit3A_116, %jit3A_114 : i32
      %rem3A_118 = arith.remsi %scan3A_92, %select_n3A_117 : i32
      %ne3A_119 = arith.constant 0 : i32
      %ne3A_120 = arith.cmpi ne, %rem3A_118, %ne3A_119 : i32
      %lt3A = arith.constant 0 : i32
      %lt3A_121 = arith.cmpi slt, %rem3A_118, %lt3A : i32
      %lt3A_122 = arith.constant 0 : i32
      %lt3A_123 = arith.cmpi slt, %select_n3A_117, %lt3A_122 : i32
      %ne3A_124 = arith.xori %lt3A_121, %lt3A_123 : i1
      %and3A_125 = arith.andi %ne3A_124, %ne3A_120 : i1
      %add3A_126 = arith.addi %rem3A_118, %select_n3A_117 : i32
      %select_n3A_127 = arith.select %and3A_125, %add3A_126, %rem3A_118 : i32
      %mul3A_128 = arith.constant 128 : i32
      %mul3A_129 = arith.muli %select_n3A_127, %mul3A_128 : i32
      %add3A_130 = arith.addi %mul3A_113, %mul3A_129 : i32
      %scan3A_131 = arith.constant 0 : i32
      %scan3A_132 = arith.constant 0 : i32
      %mul3A_133 = arith.constant 16 : i32
      %mul3A_134 = arith.muli %scan3A_132, %mul3A_133 : i32
      %get3A_135 = arith.index_cast %add3A_95 : i32 to index
      %get3A_136 = arith.index_cast %mul3A_134 : i32 to index
      %get3A_137 = tpu.vector_load %arg6[%get3A_135, %get3A_136] {strides = array<i32>} : memref<39x128xf32, #tpu.memory_space<vmem>>, vector<1x16xf32>,
      %get3A_138 = vector.shape_cast %get3A_137 : vector<1x16xf32> to vector<16xf32>
      %convert_element_type3A = arith.fptosi %get3A_138 : vector<16xf32> to vector<16xi32>
      %shift_right_arithmetic3A = arith.constant 7 : i32
      %shift_right_arithmetic3A_139 = vector.broadcast %shift_right_arithmetic3A : i32 to vector<16xi32>
      %shift_right_arithmetic3A_140 = arith.shrsi %convert_element_type3A, %shift_right_arithmetic3A_139 : vector<16xi32>
      %mul3A_141 = arith.constant 1024 : i32
      %mul3A_142 = vector.broadcast %mul3A_141 : i32 to vector<16xi32>
      %mul3A_143 = arith.muli %shift_right_arithmetic3A_140, %mul3A_142 : vector<16xi32>
      %add3A_144 = vector.broadcast %add3A_130 : i32 to vector<16xi32>
      %add3A_145 = arith.addi %add3A_144, %mul3A_143 : vector<16xi32>
      %and3A_146 = arith.constant 127 : i32
      %and3A_147 = vector.broadcast %and3A_146 : i32 to vector<16xi32>
      %and3A_148 = arith.andi %convert_element_type3A, %and3A_147 : vector<16xi32>
      %add3A_149 = arith.addi %add3A_145, %and3A_148 : vector<16xi32>
      %mul3A_150 = arith.constant 128 : i32
      %mul3A_151 = arith.muli %scan3A_92, %mul3A_150 : i32
      %mul3A_152 = arith.constant 16 : i32
      %mul3A_153 = arith.muli %scan3A_132, %mul3A_152 : i32
      %add3A_154 = arith.addi %mul3A_151, %mul3A_153 : i32
      %swap3A = arith.index_cast %add3A_154 : i32 to index
      %swap3A_155 = tpu.vector_load %arg8[%swap3A] {strides = array<i32>} : memref<3328xi32, #tpu.memory_space<vmem>>, vector<16xi32>,
      %swap3A_156 = vector.shape_cast %swap3A_155 : vector<16xi32> to vector<16xi32>
      %swap3A_157 = vector.shape_cast %add3A_149 : vector<16xi32> to vector<16xi32>
      tpu.vector_store %arg8[%swap3A], %swap3A_157 {strides = array<i32>} : memref<3328xi32, #tpu.memory_space<vmem>>, vector<16xi32>,
      %scan3A_158 = arith.constant 0 : i32
      %scan3A_159 = arith.constant 1 : i32
      %mul3A_160 = arith.constant 16 : i32
      %mul3A_161 = arith.muli %scan3A_159, %mul3A_160 : i32
      %get3A_162 = arith.index_cast %add3A_95 : i32 to index
      %get3A_163 = arith.index_cast %mul3A_161 : i32 to index
      %get3A_164 = tpu.vector_load %arg6[%get3A_162, %get3A_163] {strides = array<i32>} : memref<39x128xf32, #tpu.memory_space<vmem>>, vector<1x16xf32>,
      %get3A_165 = vector.shape_cast %get3A_164 : vector<1x16xf32> to vector<16xf32>
      %convert_element_type3A_166 = arith.fptosi %get3A_165 : vector<16xf32> to vector<16xi32>
      %shift_right_arithmetic3A_167 = arith.constant 7 : i32
      %shift_right_arithmetic3A_168 = vector.broadcast %shift_right_arithmetic3A_167 : i32 to vector<16xi32>
      %shift_right_arithmetic3A_169 = arith.shrsi %convert_element_type3A_166, %shift_right_arithmetic3A_168 : vector<16xi32>
      %mul3A_170 = arith.constant 1024 : i32
      %mul3A_171 = vector.broadcast %mul3A_170 : i32 to vector<16xi32>
      %mul3A_172 = arith.muli %shift_right_arithmetic3A_169, %mul3A_171 : vector<16xi32>
      %add3A_173 = vector.broadcast %add3A_130 : i32 to vector<16xi32>
      %add3A_174 = arith.addi %add3A_173, %mul3A_172 : vector<16xi32>
      %and3A_175 = arith.constant 127 : i32
      %and3A_176 = vector.broadcast %and3A_175 : i32 to vector<16xi32>
      %and3A_177 = arith.andi %convert_element_type3A_166, %and3A_176 : vector<16xi32>
      %add3A_178 = arith.addi %add3A_174, %and3A_177 : vector<16xi32>
      %mul3A_179 = arith.constant 128 : i32
      %mul3A_180 = arith.muli %scan3A_92, %mul3A_179 : i32
      %mul3A_181 = arith.constant 16 : i32
      %mul3A_182 = arith.muli %scan3A_159, %mul3A_181 : i32
      %add3A_183 = arith.addi %mul3A_180, %mul3A_182 : i32
      %swap3A_184 = arith.index_cast %add3A_183 : i32 to index
      %swap3A_185 = tpu.vector_load %arg8[%swap3A_184] {strides = array<i32>} : memref<3328xi32, #tpu.memory_space<vmem>>, vector<16xi32>,
      %swap3A_186 = vector.shape_cast %swap3A_185 : vector<16xi32> to vector<16xi32>
      %swap3A_187 = vector.shape_cast %add3A_178 : vector<16xi32> to vector<16xi32>
      tpu.vector_store %arg8[%swap3A_184], %swap3A_187 {strides = array<i32>} : memref<3328xi32, #tpu.memory_space<vmem>>, vector<16xi32>,
      %scan3A_188 = arith.constant 0 : i32
      %scan3A_189 = arith.constant 2 : i32
      %mul3A_190 = arith.constant 16 : i32
      %mul3A_191 = arith.muli %scan3A_189, %mul3A_190 : i32
      %get3A_192 = arith.index_cast %add3A_95 : i32 to index
      %get3A_193 = arith.index_cast %mul3A_191 : i32 to index
      %get3A_194 = tpu.vector_load %arg6[%get3A_192, %get3A_193] {strides = array<i32>} : memref<39x128xf32, #tpu.memory_space<vmem>>, vector<1x16xf32>,
      %get3A_195 = vector.shape_cast %get3A_194 : vector<1x16xf32> to vector<16xf32>
      %convert_element_type3A_196 = arith.fptosi %get3A_195 : vector<16xf32> to vector<16xi32>
      %shift_right_arithmetic3A_197 = arith.constant 7 : i32
      %shift_right_arithmetic3A_198 = vector.broadcast %shift_right_arithmetic3A_197 : i32 to vector<16xi32>
      %shift_right_arithmetic3A_199 = arith.shrsi %convert_element_type3A_196, %shift_right_arithmetic3A_198 : vector<16xi32>
      %mul3A_200 = arith.constant 1024 : i32
      %mul3A_201 = vector.broadcast %mul3A_200 : i32 to vector<16xi32>
      %mul3A_202 = arith.muli %shift_right_arithmetic3A_199, %mul3A_201 : vector<16xi32>
      %add3A_203 = vector.broadcast %add3A_130 : i32 to vector<16xi32>
      %add3A_204 = arith.addi %add3A_203, %mul3A_202 : vector<16xi32>
      %and3A_205 = arith.constant 127 : i32
      %and3A_206 = vector.broadcast %and3A_205 : i32 to vector<16xi32>
      %and3A_207 = arith.andi %convert_element_type3A_196, %and3A_206 : vector<16xi32>
      %add3A_208 = arith.addi %add3A_204, %and3A_207 : vector<16xi32>
      %mul3A_209 = arith.constant 128 : i32
      %mul3A_210 = arith.muli %scan3A_92, %mul3A_209 : i32
      %mul3A_211 = arith.constant 16 : i32
      %mul3A_212 = arith.muli %scan3A_189, %mul3A_211 : i32
      %add3A_213 = arith.addi %mul3A_210, %mul3A_212 : i32
      %swap3A_214 = arith.index_cast %add3A_213 : i32 to index
      %swap3A_215 = tpu.vector_load %arg8[%swap3A_214] {strides = array<i32>} : memref<3328xi32, #tpu.memory_space<vmem>>, vector<16xi32>,
      %swap3A_216 = vector.shape_cast %swap3A_215 : vector<16xi32> to vector<16xi32>
      %swap3A_217 = vector.shape_cast %add3A_208 : vector<16xi32> to vector<16xi32>
      tpu.vector_store %arg8[%swap3A_214], %swap3A_217 {strides = array<i32>} : memref<3328xi32, #tpu.memory_space<vmem>>, vector<16xi32>,
      %scan3A_218 = arith.constant 0 : i32
      %scan3A_219 = arith.constant 3 : i32
      %mul3A_220 = arith.constant 16 : i32
      %mul3A_221 = arith.muli %scan3A_219, %mul3A_220 : i32
      %get3A_222 = arith.index_cast %add3A_95 : i32 to index
      %get3A_223 = arith.index_cast %mul3A_221 : i32 to index
      %get3A_224 = tpu.vector_load %arg6[%get3A_222, %get3A_223] {strides = array<i32>} : memref<39x128xf32, #tpu.memory_space<vmem>>, vector<1x16xf32>,
      %get3A_225 = vector.shape_cast %get3A_224 : vector<1x16xf32> to vector<16xf32>
      %convert_element_type3A_226 = arith.fptosi %get3A_225 : vector<16xf32> to vector<16xi32>
      %shift_right_arithmetic3A_227 = arith.constant 7 : i32
      %shift_right_arithmetic3A_228 = vector.broadcast %shift_right_arithmetic3A_227 : i32 to vector<16xi32>
      %shift_right_arithmetic3A_229 = arith.shrsi %convert_element_type3A_226, %shift_right_arithmetic3A_228 : vector<16xi32>
      %mul3A_230 = arith.constant 1024 : i32
      %mul3A_231 = vector.broadcast %mul3A_230 : i32 to vector<16xi32>
      %mul3A_232 = arith.muli %shift_right_arithmetic3A_229, %mul3A_231 : vector<16xi32>
      %add3A_233 = vector.broadcast %add3A_130 : i32 to vector<16xi32>
      %add3A_234 = arith.addi %add3A_233, %mul3A_232 : vector<16xi32>
      %and3A_235 = arith.constant 127 : i32
      %and3A_236 = vector.broadcast %and3A_235 : i32 to vector<16xi32>
      %and3A_237 = arith.andi %convert_element_type3A_226, %and3A_236 : vector<16xi32>
      %add3A_238 = arith.addi %add3A_234, %and3A_237 : vector<16xi32>
      %mul3A_239 = arith.constant 128 : i32
      %mul3A_240 = arith.muli %scan3A_92, %mul3A_239 : i32
      %mul3A_241 = arith.constant 16 : i32
      %mul3A_242 = arith.muli %scan3A_219, %mul3A_241 : i32
      %add3A_243 = arith.addi %mul3A_240, %mul3A_242 : i32
      %swap3A_244 = arith.index_cast %add3A_243 : i32 to index
      %swap3A_245 = tpu.vector_load %arg8[%swap3A_244] {strides = array<i32>} : memref<3328xi32, #tpu.memory_space<vmem>>, vector<16xi32>,
      %swap3A_246 = vector.shape_cast %swap3A_245 : vector<16xi32> to vector<16xi32>
      %swap3A_247 = vector.shape_cast %add3A_238 : vector<16xi32> to vector<16xi32>
      tpu.vector_store %arg8[%swap3A_244], %swap3A_247 {strides = array<i32>} : memref<3328xi32, #tpu.memory_space<vmem>>, vector<16xi32>,
      %scan3A_248 = arith.constant 0 : i32
      %scan3A_249 = arith.constant 4 : i32
      %mul3A_250 = arith.constant 16 : i32
      %mul3A_251 = arith.muli %scan3A_249, %mul3A_250 : i32
      %get3A_252 = arith.index_cast %add3A_95 : i32 to index
      %get3A_253 = arith.index_cast %mul3A_251 : i32 to index
      %get3A_254 = tpu.vector_load %arg6[%get3A_252, %get3A_253] {strides = array<i32>} : memref<39x128xf32, #tpu.memory_space<vmem>>, vector<1x16xf32>,
      %get3A_255 = vector.shape_cast %get3A_254 : vector<1x16xf32> to vector<16xf32>
      %convert_element_type3A_256 = arith.fptosi %get3A_255 : vector<16xf32> to vector<16xi32>
      %shift_right_arithmetic3A_257 = arith.constant 7 : i32
      %shift_right_arithmetic3A_258 = vector.broadcast %shift_right_arithmetic3A_257 : i32 to vector<16xi32>
      %shift_right_arithmetic3A_259 = arith.shrsi %convert_element_type3A_256, %shift_right_arithmetic3A_258 : vector<16xi32>
      %mul3A_260 = arith.constant 1024 : i32
      %mul3A_261 = vector.broadcast %mul3A_260 : i32 to vector<16xi32>
      %mul3A_262 = arith.muli %shift_right_arithmetic3A_259, %mul3A_261 : vector<16xi32>
      %add3A_263 = vector.broadcast %add3A_130 : i32 to vector<16xi32>
      %add3A_264 = arith.addi %add3A_263, %mul3A_262 : vector<16xi32>
      %and3A_265 = arith.constant 127 : i32
      %and3A_266 = vector.broadcast %and3A_265 : i32 to vector<16xi32>
      %and3A_267 = arith.andi %convert_element_type3A_256, %and3A_266 : vector<16xi32>
      %add3A_268 = arith.addi %add3A_264, %and3A_267 : vector<16xi32>
      %mul3A_269 = arith.constant 128 : i32
      %mul3A_270 = arith.muli %scan3A_92, %mul3A_269 : i32
      %mul3A_271 = arith.constant 16 : i32
      %mul3A_272 = arith.muli %scan3A_249, %mul3A_271 : i32
      %add3A_273 = arith.addi %mul3A_270, %mul3A_272 : i32
      %swap3A_274 = arith.index_cast %add3A_273 : i32 to index
      %swap3A_275 = tpu.vector_load %arg8[%swap3A_274] {strides = array<i32>} : memref<3328xi32, #tpu.memory_space<vmem>>, vector<16xi32>,
      %swap3A_276 = vector.shape_cast %swap3A_275 : vector<16xi32> to vector<16xi32>
      %swap3A_277 = vector.shape_cast %add3A_268 : vector<16xi32> to vector<16xi32>
      tpu.vector_store %arg8[%swap3A_274], %swap3A_277 {strides = array<i32>} : memref<3328xi32, #tpu.memory_space<vmem>>, vector<16xi32>,
      %scan3A_278 = arith.constant 0 : i32
      %scan3A_279 = arith.constant 5 : i32
      %mul3A_280 = arith.constant 16 : i32
      %mul3A_281 = arith.muli %scan3A_279, %mul3A_280 : i32
      %get3A_282 = arith.index_cast %add3A_95 : i32 to index
      %get3A_283 = arith.index_cast %mul3A_281 : i32 to index
      %get3A_284 = tpu.vector_load %arg6[%get3A_282, %get3A_283] {strides = array<i32>} : memref<39x128xf32, #tpu.memory_space<vmem>>, vector<1x16xf32>,
      %get3A_285 = vector.shape_cast %get3A_284 : vector<1x16xf32> to vector<16xf32>
      %convert_element_type3A_286 = arith.fptosi %get3A_285 : vector<16xf32> to vector<16xi32>
      %shift_right_arithmetic3A_287 = arith.constant 7 : i32
      %shift_right_arithmetic3A_288 = vector.broadcast %shift_right_arithmetic3A_287 : i32 to vector<16xi32>
      %shift_right_arithmetic3A_289 = arith.shrsi %convert_element_type3A_286, %shift_right_arithmetic3A_288 : vector<16xi32>
      %mul3A_290 = arith.constant 1024 : i32
      %mul3A_291 = vector.broadcast %mul3A_290 : i32 to vector<16xi32>
      %mul3A_292 = arith.muli %shift_right_arithmetic3A_289, %mul3A_291 : vector<16xi32>
      %add3A_293 = vector.broadcast %add3A_130 : i32 to vector<16xi32>
      %add3A_294 = arith.addi %add3A_293, %mul3A_292 : vector<16xi32>
      %and3A_295 = arith.constant 127 : i32
      %and3A_296 = vector.broadcast %and3A_295 : i32 to vector<16xi32>
      %and3A_297 = arith.andi %convert_element_type3A_286, %and3A_296 : vector<16xi32>
      %add3A_298 = arith.addi %add3A_294, %and3A_297 : vector<16xi32>
      %mul3A_299 = arith.constant 128 : i32
      %mul3A_300 = arith.muli %scan3A_92, %mul3A_299 : i32
      %mul3A_301 = arith.constant 16 : i32
      %mul3A_302 = arith.muli %scan3A_279, %mul3A_301 : i32
      %add3A_303 = arith.addi %mul3A_300, %mul3A_302 : i32
      %swap3A_304 = arith.index_cast %add3A_303 : i32 to index
      %swap3A_305 = tpu.vector_load %arg8[%swap3A_304] {strides = array<i32>} : memref<3328xi32, #tpu.memory_space<vmem>>, vector<16xi32>,
      %swap3A_306 = vector.shape_cast %swap3A_305 : vector<16xi32> to vector<16xi32>
      %swap3A_307 = vector.shape_cast %add3A_298 : vector<16xi32> to vector<16xi32>
      tpu.vector_store %arg8[%swap3A_304], %swap3A_307 {strides = array<i32>} : memref<3328xi32, #tpu.memory_space<vmem>>, vector<16xi32>,
      %scan3A_308 = arith.constant 0 : i32
      %scan3A_309 = arith.constant 6 : i32
      %mul3A_310 = arith.constant 16 : i32
      %mul3A_311 = arith.muli %scan3A_309, %mul3A_310 : i32
      %get3A_312 = arith.index_cast %add3A_95 : i32 to index
      %get3A_313 = arith.index_cast %mul3A_311 : i32 to index
      %get3A_314 = tpu.vector_load %arg6[%get3A_312, %get3A_313] {strides = array<i32>} : memref<39x128xf32, #tpu.memory_space<vmem>>, vector<1x16xf32>,
      %get3A_315 = vector.shape_cast %get3A_314 : vector<1x16xf32> to vector<16xf32>
      %convert_element_type3A_316 = arith.fptosi %get3A_315 : vector<16xf32> to vector<16xi32>
      %shift_right_arithmetic3A_317 = arith.constant 7 : i32
      %shift_right_arithmetic3A_318 = vector.broadcast %shift_right_arithmetic3A_317 : i32 to vector<16xi32>
      %shift_right_arithmetic3A_319 = arith.shrsi %convert_element_type3A_316, %shift_right_arithmetic3A_318 : vector<16xi32>
      %mul3A_320 = arith.constant 1024 : i32
      %mul3A_321 = vector.broadcast %mul3A_320 : i32 to vector<16xi32>
      %mul3A_322 = arith.muli %shift_right_arithmetic3A_319, %mul3A_321 : vector<16xi32>
      %add3A_323 = vector.broadcast %add3A_130 : i32 to vector<16xi32>
      %add3A_324 = arith.addi %add3A_323, %mul3A_322 : vector<16xi32>
      %and3A_325 = arith.constant 127 : i32
      %and3A_326 = vector.broadcast %and3A_325 : i32 to vector<16xi32>
      %and3A_327 = arith.andi %convert_element_type3A_316, %and3A_326 : vector<16xi32>
      %add3A_328 = arith.addi %add3A_324, %and3A_327 : vector<16xi32>
      %mul3A_329 = arith.constant 128 : i32
      %mul3A_330 = arith.muli %scan3A_92, %mul3A_329 : i32
      %mul3A_331 = arith.constant 16 : i32
      %mul3A_332 = arith.muli %scan3A_309, %mul3A_331 : i32
      %add3A_333 = arith.addi %mul3A_330, %mul3A_332 : i32
      %swap3A_334 = arith.index_cast %add3A_333 : i32 to index
      %swap3A_335 = tpu.vector_load %arg8[%swap3A_334] {strides = array<i32>} : memref<3328xi32, #tpu.memory_space<vmem>>, vector<16xi32>,
      %swap3A_336 = vector.shape_cast %swap3A_335 : vector<16xi32> to vector<16xi32>
      %swap3A_337 = vector.shape_cast %add3A_328 : vector<16xi32> to vector<16xi32>
      tpu.vector_store %arg8[%swap3A_334], %swap3A_337 {strides = array<i32>} : memref<3328xi32, #tpu.memory_space<vmem>>, vector<16xi32>,
      %scan3A_338 = arith.constant 0 : i32
      %scan3A_339 = arith.constant 7 : i32
      %mul3A_340 = arith.constant 16 : i32
      %mul3A_341 = arith.muli %scan3A_339, %mul3A_340 : i32
      %get3A_342 = arith.index_cast %add3A_95 : i32 to index
      %get3A_343 = arith.index_cast %mul3A_341 : i32 to index
      %get3A_344 = tpu.vector_load %arg6[%get3A_342, %get3A_343] {strides = array<i32>} : memref<39x128xf32, #tpu.memory_space<vmem>>, vector<1x16xf32>,
      %get3A_345 = vector.shape_cast %get3A_344 : vector<1x16xf32> to vector<16xf32>
      %convert_element_type3A_346 = arith.fptosi %get3A_345 : vector<16xf32> to vector<16xi32>
      %shift_right_arithmetic3A_347 = arith.constant 7 : i32
      %shift_right_arithmetic3A_348 = vector.broadcast %shift_right_arithmetic3A_347 : i32 to vector<16xi32>
      %shift_right_arithmetic3A_349 = arith.shrsi %convert_element_type3A_346, %shift_right_arithmetic3A_348 : vector<16xi32>
      %mul3A_350 = arith.constant 1024 : i32
      %mul3A_351 = vector.broadcast %mul3A_350 : i32 to vector<16xi32>
      %mul3A_352 = arith.muli %shift_right_arithmetic3A_349, %mul3A_351 : vector<16xi32>
      %add3A_353 = vector.broadcast %add3A_130 : i32 to vector<16xi32>
      %add3A_354 = arith.addi %add3A_353, %mul3A_352 : vector<16xi32>
      %and3A_355 = arith.constant 127 : i32
      %and3A_356 = vector.broadcast %and3A_355 : i32 to vector<16xi32>
      %and3A_357 = arith.andi %convert_element_type3A_346, %and3A_356 : vector<16xi32>
      %add3A_358 = arith.addi %add3A_354, %and3A_357 : vector<16xi32>
      %mul3A_359 = arith.constant 128 : i32
      %mul3A_360 = arith.muli %scan3A_92, %mul3A_359 : i32
      %mul3A_361 = arith.constant 16 : i32
      %mul3A_362 = arith.muli %scan3A_339, %mul3A_361 : i32
      %add3A_363 = arith.addi %mul3A_360, %mul3A_362 : i32
      %swap3A_364 = arith.index_cast %add3A_363 : i32 to index
      %swap3A_365 = tpu.vector_load %arg8[%swap3A_364] {strides = array<i32>} : memref<3328xi32, #tpu.memory_space<vmem>>, vector<16xi32>,
      %swap3A_366 = vector.shape_cast %swap3A_365 : vector<16xi32> to vector<16xi32>
      %swap3A_367 = vector.shape_cast %add3A_358 : vector<16xi32> to vector<16xi32>
      tpu.vector_store %arg8[%swap3A_364], %swap3A_367 {strides = array<i32>} : memref<3328xi32, #tpu.memory_space<vmem>>, vector<16xi32>,
      %scan3A_368 = arith.constant 0 : i32
      %scan3A_369 = arith.constant 8 : i32
      %scan3A_370 = arith.constant 0 : i32
      scf.yield %scan3A_370 : i32
    }
    %scan3A_8 = arith.constant 6 : i32
    %dma_start3A = arith.constant 0 : i32
    %dma_start3A_9 = tpu.memref_slice %arg9[%dma_start3A] : memref<3328xf32, #tpu.memory_space<vmem>> -> memref<768xf32, #tpu.memory_space<vmem>>
    %dma_start3A_10 = arith.constant 0 : i32
    %dma_start3A_11 = tpu.memref_slice %arg8[%dma_start3A_10] : memref<3328xi32, #tpu.memory_space<vmem>> -> memref<768xi32, #tpu.memory_space<vmem>>
    %dma_start3A_12 = arith.constant 0 : i32
    %dma_start3A_13 = tpu.memref_slice %arg3[%dma_start3A_12] : memref<3203072xf32, #tpu.memory_space<hbm>> -> memref<3203072xf32, #tpu.memory_space<hbm>>
    tpu.enqueue_indirect_dma source(%dma_start3A_13 : memref<3203072xf32, #tpu.memory_space<hbm>>) target(%dma_start3A_9 : memref<768xf32, #tpu.memory_space<vmem>>) offsets(%dma_start3A_11 : memref<768xi32, #tpu.memory_space<vmem>>) semaphore(%arg11 : memref<!tpu.dma_semaphore, #tpu.memory_space<semaphore_mem>>)
    %scan3A_14 = arith.constant 0 : i32
    %scan3A_15 = arith.constant 6 : i32
    %scan3A_16 = arith.constant 7 : i32
    %scan3A_17 = arith.addi %scan3A_15, %scan3A_16 : i32
    %scan3A_18 = arith.constant 1 : i32
    %scan3A_19 = scf.for %scan3A_92 = %scan3A_15 to %scan3A_17 step %scan3A_18 iter_args(%scan3A_93 = %scan3A_14) -> (i32)  : i32 {
      %add3A_94 = arith.constant 13 : i32
      %add3A_95 = arith.addi %add3A_94, %scan3A_92 : i32
      %jit3A = arith.constant 8 : i32
      %div3A = arith.divsi %scan3A_92, %jit3A : i32
      %sign3A = arith.constant 0 : i32
      %sign3A_96 = arith.cmpi sgt, %scan3A_92, %sign3A : i32
      %sign3A_97 = arith.extui %sign3A_96 : i1 to i32
      %sign3A_98 = arith.constant 0 : i32
      %sign3A_99 = arith.cmpi slt, %scan3A_92, %sign3A_98 : i32
      %sign3A_100 = arith.extui %sign3A_99 : i1 to i32
      %sign3A_101 = arith.subi %sign3A_97, %sign3A_100 : i32
      %sign3A_102 = arith.constant 0 : i32
      %sign3A_103 = arith.cmpi sgt, %jit3A, %sign3A_102 : i32
      %sign3A_104 = arith.extui %sign3A_103 : i1 to i32
      %sign3A_105 = arith.constant 0 : i32
      %sign3A_106 = arith.cmpi slt, %jit3A, %sign3A_105 : i32
      %sign3A_107 = arith.extui %sign3A_106 : i1 to i32
      %sign3A_108 = arith.subi %sign3A_104, %sign3A_107 : i32
      %ne3A = arith.cmpi ne, %sign3A_101, %sign3A_108 : i32
      %rem3A = arith.remsi %scan3A_92, %jit3A : i32
      %ne3A_109 = arith.constant 0 : i32
      %ne3A_110 = arith.cmpi ne, %rem3A, %ne3A_109 : i32
      %and3A = arith.andi %ne3A, %ne3A_110 : i1
      %sub3A = arith.constant 1 : i32
      %sub3A_111 = arith.subi %div3A, %sub3A : i32
      %select_n3A = arith.select %and3A, %sub3A_111, %div3A : i32
      %mul3A_112 = arith.constant 800768 : i32
      %mul3A_113 = arith.muli %select_n3A, %mul3A_112 : i32
      %jit3A_114 = arith.constant 8 : i32
      %eq3A = arith.constant 0 : i32
      %eq3A_115 = arith.cmpi eq, %jit3A_114, %eq3A : i32
      %jit3A_116 = arith.constant 1 : i32
      %select_n3A_117 = arith.select %eq3A_115, %jit3A_116, %jit3A_114 : i32
      %rem3A_118 = arith.remsi %scan3A_92, %select_n3A_117 : i32
      %ne3A_119 = arith.constant 0 : i32
      %ne3A_120 = arith.cmpi ne, %rem3A_118, %ne3A_119 : i32
      %lt3A = arith.constant 0 : i32
      %lt3A_121 = arith.cmpi slt, %rem3A_118, %lt3A : i32
      %lt3A_122 = arith.constant 0 : i32
      %lt3A_123 = arith.cmpi slt, %select_n3A_117, %lt3A_122 : i32
      %ne3A_124 = arith.xori %lt3A_121, %lt3A_123 : i1
      %and3A_125 = arith.andi %ne3A_124, %ne3A_120 : i1
      %add3A_126 = arith.addi %rem3A_118, %select_n3A_117 : i32
      %select_n3A_127 = arith.select %and3A_125, %add3A_126, %rem3A_118 : i32
      %mul3A_128 = arith.constant 128 : i32
      %mul3A_129 = arith.muli %select_n3A_127, %mul3A_128 : i32
      %add3A_130 = arith.addi %mul3A_113, %mul3A_129 : i32
      %scan3A_131 = arith.constant 0 : i32
      %scan3A_132 = arith.constant 0 : i32
      %mul3A_133 = arith.constant 16 : i32
      %mul3A_134 = arith.muli %scan3A_132, %mul3A_133 : i32
      %get3A_135 = arith.index_cast %add3A_95 : i32 to index
      %get3A_136 = arith.index_cast %mul3A_134 : i32 to index
      %get3A_137 = tpu.vector_load %arg6[%get3A_135, %get3A_136] {strides = array<i32>} : memref<39x128xf32, #tpu.memory_space<vmem>>, vector<1x16xf32>,
      %get3A_138 = vector.shape_cast %get3A_137 : vector<1x16xf32> to vector<16xf32>
      %convert_element_type3A = arith.fptosi %get3A_138 : vector<16xf32> to vector<16xi32>
      %shift_right_arithmetic3A = arith.constant 7 : i32
      %shift_right_arithmetic3A_139 = vector.broadcast %shift_right_arithmetic3A : i32 to vector<16xi32>
      %shift_right_arithmetic3A_140 = arith.shrsi %convert_element_type3A, %shift_right_arithmetic3A_139 : vector<16xi32>
      %mul3A_141 = arith.constant 1024 : i32
      %mul3A_142 = vector.broadcast %mul3A_141 : i32 to vector<16xi32>
      %mul3A_143 = arith.muli %shift_right_arithmetic3A_140, %mul3A_142 : vector<16xi32>
      %add3A_144 = vector.broadcast %add3A_130 : i32 to vector<16xi32>
      %add3A_145 = arith.addi %add3A_144, %mul3A_143 : vector<16xi32>
      %and3A_146 = arith.constant 127 : i32
      %and3A_147 = vector.broadcast %and3A_146 : i32 to vector<16xi32>
      %and3A_148 = arith.andi %convert_element_type3A, %and3A_147 : vector<16xi32>
      %add3A_149 = arith.addi %add3A_145, %and3A_148 : vector<16xi32>
      %mul3A_150 = arith.constant 128 : i32
      %mul3A_151 = arith.muli %scan3A_92, %mul3A_150 : i32
      %mul3A_152 = arith.constant 16 : i32
      %mul3A_153 = arith.muli %scan3A_132, %mul3A_152 : i32
      %add3A_154 = arith.addi %mul3A_151, %mul3A_153 : i32
      %swap3A = arith.index_cast %add3A_154 : i32 to index
      %swap3A_155 = tpu.vector_load %arg8[%swap3A] {strides = array<i32>} : memref<3328xi32, #tpu.memory_space<vmem>>, vector<16xi32>,
      %swap3A_156 = vector.shape_cast %swap3A_155 : vector<16xi32> to vector<16xi32>
      %swap3A_157 = vector.shape_cast %add3A_149 : vector<16xi32> to vector<16xi32>
      tpu.vector_store %arg8[%swap3A], %swap3A_157 {strides = array<i32>} : memref<3328xi32, #tpu.memory_space<vmem>>, vector<16xi32>,
      %scan3A_158 = arith.constant 0 : i32
      %scan3A_159 = arith.constant 1 : i32
      %mul3A_160 = arith.constant 16 : i32
      %mul3A_161 = arith.muli %scan3A_159, %mul3A_160 : i32
      %get3A_162 = arith.index_cast %add3A_95 : i32 to index
      %get3A_163 = arith.index_cast %mul3A_161 : i32 to index
      %get3A_164 = tpu.vector_load %arg6[%get3A_162, %get3A_163] {strides = array<i32>} : memref<39x128xf32, #tpu.memory_space<vmem>>, vector<1x16xf32>,
      %get3A_165 = vector.shape_cast %get3A_164 : vector<1x16xf32> to vector<16xf32>
      %convert_element_type3A_166 = arith.fptosi %get3A_165 : vector<16xf32> to vector<16xi32>
      %shift_right_arithmetic3A_167 = arith.constant 7 : i32
      %shift_right_arithmetic3A_168 = vector.broadcast %shift_right_arithmetic3A_167 : i32 to vector<16xi32>
      %shift_right_arithmetic3A_169 = arith.shrsi %convert_element_type3A_166, %shift_right_arithmetic3A_168 : vector<16xi32>
      %mul3A_170 = arith.constant 1024 : i32
      %mul3A_171 = vector.broadcast %mul3A_170 : i32 to vector<16xi32>
      %mul3A_172 = arith.muli %shift_right_arithmetic3A_169, %mul3A_171 : vector<16xi32>
      %add3A_173 = vector.broadcast %add3A_130 : i32 to vector<16xi32>
      %add3A_174 = arith.addi %add3A_173, %mul3A_172 : vector<16xi32>
      %and3A_175 = arith.constant 127 : i32
      %and3A_176 = vector.broadcast %and3A_175 : i32 to vector<16xi32>
      %and3A_177 = arith.andi %convert_element_type3A_166, %and3A_176 : vector<16xi32>
      %add3A_178 = arith.addi %add3A_174, %and3A_177 : vector<16xi32>
      %mul3A_179 = arith.constant 128 : i32
      %mul3A_180 = arith.muli %scan3A_92, %mul3A_179 : i32
      %mul3A_181 = arith.constant 16 : i32
      %mul3A_182 = arith.muli %scan3A_159, %mul3A_181 : i32
      %add3A_183 = arith.addi %mul3A_180, %mul3A_182 : i32
      %swap3A_184 = arith.index_cast %add3A_183 : i32 to index
      %swap3A_185 = tpu.vector_load %arg8[%swap3A_184] {strides = array<i32>} : memref<3328xi32, #tpu.memory_space<vmem>>, vector<16xi32>,
      %swap3A_186 = vector.shape_cast %swap3A_185 : vector<16xi32> to vector<16xi32>
      %swap3A_187 = vector.shape_cast %add3A_178 : vector<16xi32> to vector<16xi32>
      tpu.vector_store %arg8[%swap3A_184], %swap3A_187 {strides = array<i32>} : memref<3328xi32, #tpu.memory_space<vmem>>, vector<16xi32>,
      %scan3A_188 = arith.constant 0 : i32
      %scan3A_189 = arith.constant 2 : i32
      %mul3A_190 = arith.constant 16 : i32
      %mul3A_191 = arith.muli %scan3A_189, %mul3A_190 : i32
      %get3A_192 = arith.index_cast %add3A_95 : i32 to index
      %get3A_193 = arith.index_cast %mul3A_191 : i32 to index
      %get3A_194 = tpu.vector_load %arg6[%get3A_192, %get3A_193] {strides = array<i32>} : memref<39x128xf32, #tpu.memory_space<vmem>>, vector<1x16xf32>,
      %get3A_195 = vector.shape_cast %get3A_194 : vector<1x16xf32> to vector<16xf32>
      %convert_element_type3A_196 = arith.fptosi %get3A_195 : vector<16xf32> to vector<16xi32>
      %shift_right_arithmetic3A_197 = arith.constant 7 : i32
      %shift_right_arithmetic3A_198 = vector.broadcast %shift_right_arithmetic3A_197 : i32 to vector<16xi32>
      %shift_right_arithmetic3A_199 = arith.shrsi %convert_element_type3A_196, %shift_right_arithmetic3A_198 : vector<16xi32>
      %mul3A_200 = arith.constant 1024 : i32
      %mul3A_201 = vector.broadcast %mul3A_200 : i32 to vector<16xi32>
      %mul3A_202 = arith.muli %shift_right_arithmetic3A_199, %mul3A_201 : vector<16xi32>
      %add3A_203 = vector.broadcast %add3A_130 : i32 to vector<16xi32>
      %add3A_204 = arith.addi %add3A_203, %mul3A_202 : vector<16xi32>
      %and3A_205 = arith.constant 127 : i32
      %and3A_206 = vector.broadcast %and3A_205 : i32 to vector<16xi32>
      %and3A_207 = arith.andi %convert_element_type3A_196, %and3A_206 : vector<16xi32>
      %add3A_208 = arith.addi %add3A_204, %and3A_207 : vector<16xi32>
      %mul3A_209 = arith.constant 128 : i32
      %mul3A_210 = arith.muli %scan3A_92, %mul3A_209 : i32
      %mul3A_211 = arith.constant 16 : i32
      %mul3A_212 = arith.muli %scan3A_189, %mul3A_211 : i32
      %add3A_213 = arith.addi %mul3A_210, %mul3A_212 : i32
      %swap3A_214 = arith.index_cast %add3A_213 : i32 to index
      %swap3A_215 = tpu.vector_load %arg8[%swap3A_214] {strides = array<i32>} : memref<3328xi32, #tpu.memory_space<vmem>>, vector<16xi32>,
      %swap3A_216 = vector.shape_cast %swap3A_215 : vector<16xi32> to vector<16xi32>
      %swap3A_217 = vector.shape_cast %add3A_208 : vector<16xi32> to vector<16xi32>
      tpu.vector_store %arg8[%swap3A_214], %swap3A_217 {strides = array<i32>} : memref<3328xi32, #tpu.memory_space<vmem>>, vector<16xi32>,
      %scan3A_218 = arith.constant 0 : i32
      %scan3A_219 = arith.constant 3 : i32
      %mul3A_220 = arith.constant 16 : i32
      %mul3A_221 = arith.muli %scan3A_219, %mul3A_220 : i32
      %get3A_222 = arith.index_cast %add3A_95 : i32 to index
      %get3A_223 = arith.index_cast %mul3A_221 : i32 to index
      %get3A_224 = tpu.vector_load %arg6[%get3A_222, %get3A_223] {strides = array<i32>} : memref<39x128xf32, #tpu.memory_space<vmem>>, vector<1x16xf32>,
      %get3A_225 = vector.shape_cast %get3A_224 : vector<1x16xf32> to vector<16xf32>
      %convert_element_type3A_226 = arith.fptosi %get3A_225 : vector<16xf32> to vector<16xi32>
      %shift_right_arithmetic3A_227 = arith.constant 7 : i32
      %shift_right_arithmetic3A_228 = vector.broadcast %shift_right_arithmetic3A_227 : i32 to vector<16xi32>
      %shift_right_arithmetic3A_229 = arith.shrsi %convert_element_type3A_226, %shift_right_arithmetic3A_228 : vector<16xi32>
      %mul3A_230 = arith.constant 1024 : i32
      %mul3A_231 = vector.broadcast %mul3A_230 : i32 to vector<16xi32>
      %mul3A_232 = arith.muli %shift_right_arithmetic3A_229, %mul3A_231 : vector<16xi32>
      %add3A_233 = vector.broadcast %add3A_130 : i32 to vector<16xi32>
      %add3A_234 = arith.addi %add3A_233, %mul3A_232 : vector<16xi32>
      %and3A_235 = arith.constant 127 : i32
      %and3A_236 = vector.broadcast %and3A_235 : i32 to vector<16xi32>
      %and3A_237 = arith.andi %convert_element_type3A_226, %and3A_236 : vector<16xi32>
      %add3A_238 = arith.addi %add3A_234, %and3A_237 : vector<16xi32>
      %mul3A_239 = arith.constant 128 : i32
      %mul3A_240 = arith.muli %scan3A_92, %mul3A_239 : i32
      %mul3A_241 = arith.constant 16 : i32
      %mul3A_242 = arith.muli %scan3A_219, %mul3A_241 : i32
      %add3A_243 = arith.addi %mul3A_240, %mul3A_242 : i32
      %swap3A_244 = arith.index_cast %add3A_243 : i32 to index
      %swap3A_245 = tpu.vector_load %arg8[%swap3A_244] {strides = array<i32>} : memref<3328xi32, #tpu.memory_space<vmem>>, vector<16xi32>,
      %swap3A_246 = vector.shape_cast %swap3A_245 : vector<16xi32> to vector<16xi32>
      %swap3A_247 = vector.shape_cast %add3A_238 : vector<16xi32> to vector<16xi32>
      tpu.vector_store %arg8[%swap3A_244], %swap3A_247 {strides = array<i32>} : memref<3328xi32, #tpu.memory_space<vmem>>, vector<16xi32>,
      %scan3A_248 = arith.constant 0 : i32
      %scan3A_249 = arith.constant 4 : i32
      %mul3A_250 = arith.constant 16 : i32
      %mul3A_251 = arith.muli %scan3A_249, %mul3A_250 : i32
      %get3A_252 = arith.index_cast %add3A_95 : i32 to index
      %get3A_253 = arith.index_cast %mul3A_251 : i32 to index
      %get3A_254 = tpu.vector_load %arg6[%get3A_252, %get3A_253] {strides = array<i32>} : memref<39x128xf32, #tpu.memory_space<vmem>>, vector<1x16xf32>,
      %get3A_255 = vector.shape_cast %get3A_254 : vector<1x16xf32> to vector<16xf32>
      %convert_element_type3A_256 = arith.fptosi %get3A_255 : vector<16xf32> to vector<16xi32>
      %shift_right_arithmetic3A_257 = arith.constant 7 : i32
      %shift_right_arithmetic3A_258 = vector.broadcast %shift_right_arithmetic3A_257 : i32 to vector<16xi32>
      %shift_right_arithmetic3A_259 = arith.shrsi %convert_element_type3A_256, %shift_right_arithmetic3A_258 : vector<16xi32>
      %mul3A_260 = arith.constant 1024 : i32
      %mul3A_261 = vector.broadcast %mul3A_260 : i32 to vector<16xi32>
      %mul3A_262 = arith.muli %shift_right_arithmetic3A_259, %mul3A_261 : vector<16xi32>
      %add3A_263 = vector.broadcast %add3A_130 : i32 to vector<16xi32>
      %add3A_264 = arith.addi %add3A_263, %mul3A_262 : vector<16xi32>
      %and3A_265 = arith.constant 127 : i32
      %and3A_266 = vector.broadcast %and3A_265 : i32 to vector<16xi32>
      %and3A_267 = arith.andi %convert_element_type3A_256, %and3A_266 : vector<16xi32>
      %add3A_268 = arith.addi %add3A_264, %and3A_267 : vector<16xi32>
      %mul3A_269 = arith.constant 128 : i32
      %mul3A_270 = arith.muli %scan3A_92, %mul3A_269 : i32
      %mul3A_271 = arith.constant 16 : i32
      %mul3A_272 = arith.muli %scan3A_249, %mul3A_271 : i32
      %add3A_273 = arith.addi %mul3A_270, %mul3A_272 : i32
      %swap3A_274 = arith.index_cast %add3A_273 : i32 to index
      %swap3A_275 = tpu.vector_load %arg8[%swap3A_274] {strides = array<i32>} : memref<3328xi32, #tpu.memory_space<vmem>>, vector<16xi32>,
      %swap3A_276 = vector.shape_cast %swap3A_275 : vector<16xi32> to vector<16xi32>
      %swap3A_277 = vector.shape_cast %add3A_268 : vector<16xi32> to vector<16xi32>
      tpu.vector_store %arg8[%swap3A_274], %swap3A_277 {strides = array<i32>} : memref<3328xi32, #tpu.memory_space<vmem>>, vector<16xi32>,
      %scan3A_278 = arith.constant 0 : i32
      %scan3A_279 = arith.constant 5 : i32
      %mul3A_280 = arith.constant 16 : i32
      %mul3A_281 = arith.muli %scan3A_279, %mul3A_280 : i32
      %get3A_282 = arith.index_cast %add3A_95 : i32 to index
      %get3A_283 = arith.index_cast %mul3A_281 : i32 to index
      %get3A_284 = tpu.vector_load %arg6[%get3A_282, %get3A_283] {strides = array<i32>} : memref<39x128xf32, #tpu.memory_space<vmem>>, vector<1x16xf32>,
      %get3A_285 = vector.shape_cast %get3A_284 : vector<1x16xf32> to vector<16xf32>
      %convert_element_type3A_286 = arith.fptosi %get3A_285 : vector<16xf32> to vector<16xi32>
      %shift_right_arithmetic3A_287 = arith.constant 7 : i32
      %shift_right_arithmetic3A_288 = vector.broadcast %shift_right_arithmetic3A_287 : i32 to vector<16xi32>
      %shift_right_arithmetic3A_289 = arith.shrsi %convert_element_type3A_286, %shift_right_arithmetic3A_288 : vector<16xi32>
      %mul3A_290 = arith.constant 1024 : i32
      %mul3A_291 = vector.broadcast %mul3A_290 : i32 to vector<16xi32>
      %mul3A_292 = arith.muli %shift_right_arithmetic3A_289, %mul3A_291 : vector<16xi32>
      %add3A_293 = vector.broadcast %add3A_130 : i32 to vector<16xi32>
      %add3A_294 = arith.addi %add3A_293, %mul3A_292 : vector<16xi32>
      %and3A_295 = arith.constant 127 : i32
      %and3A_296 = vector.broadcast %and3A_295 : i32 to vector<16xi32>
      %and3A_297 = arith.andi %convert_element_type3A_286, %and3A_296 : vector<16xi32>
      %add3A_298 = arith.addi %add3A_294, %and3A_297 : vector<16xi32>
      %mul3A_299 = arith.constant 128 : i32
      %mul3A_300 = arith.muli %scan3A_92, %mul3A_299 : i32
      %mul3A_301 = arith.constant 16 : i32
      %mul3A_302 = arith.muli %scan3A_279, %mul3A_301 : i32
      %add3A_303 = arith.addi %mul3A_300, %mul3A_302 : i32
      %swap3A_304 = arith.index_cast %add3A_303 : i32 to index
      %swap3A_305 = tpu.vector_load %arg8[%swap3A_304] {strides = array<i32>} : memref<3328xi32, #tpu.memory_space<vmem>>, vector<16xi32>,
      %swap3A_306 = vector.shape_cast %swap3A_305 : vector<16xi32> to vector<16xi32>
      %swap3A_307 = vector.shape_cast %add3A_298 : vector<16xi32> to vector<16xi32>
      tpu.vector_store %arg8[%swap3A_304], %swap3A_307 {strides = array<i32>} : memref<3328xi32, #tpu.memory_space<vmem>>, vector<16xi32>,
      %scan3A_308 = arith.constant 0 : i32
      %scan3A_309 = arith.constant 6 : i32
      %mul3A_310 = arith.constant 16 : i32
      %mul3A_311 = arith.muli %scan3A_309, %mul3A_310 : i32
      %get3A_312 = arith.index_cast %add3A_95 : i32 to index
      %get3A_313 = arith.index_cast %mul3A_311 : i32 to index
      %get3A_314 = tpu.vector_load %arg6[%get3A_312, %get3A_313] {strides = array<i32>} : memref<39x128xf32, #tpu.memory_space<vmem>>, vector<1x16xf32>,
      %get3A_315 = vector.shape_cast %get3A_314 : vector<1x16xf32> to vector<16xf32>
      %convert_element_type3A_316 = arith.fptosi %get3A_315 : vector<16xf32> to vector<16xi32>
      %shift_right_arithmetic3A_317 = arith.constant 7 : i32
      %shift_right_arithmetic3A_318 = vector.broadcast %shift_right_arithmetic3A_317 : i32 to vector<16xi32>
      %shift_right_arithmetic3A_319 = arith.shrsi %convert_element_type3A_316, %shift_right_arithmetic3A_318 : vector<16xi32>
      %mul3A_320 = arith.constant 1024 : i32
      %mul3A_321 = vector.broadcast %mul3A_320 : i32 to vector<16xi32>
      %mul3A_322 = arith.muli %shift_right_arithmetic3A_319, %mul3A_321 : vector<16xi32>
      %add3A_323 = vector.broadcast %add3A_130 : i32 to vector<16xi32>
      %add3A_324 = arith.addi %add3A_323, %mul3A_322 : vector<16xi32>
      %and3A_325 = arith.constant 127 : i32
      %and3A_326 = vector.broadcast %and3A_325 : i32 to vector<16xi32>
      %and3A_327 = arith.andi %convert_element_type3A_316, %and3A_326 : vector<16xi32>
      %add3A_328 = arith.addi %add3A_324, %and3A_327 : vector<16xi32>
      %mul3A_329 = arith.constant 128 : i32
      %mul3A_330 = arith.muli %scan3A_92, %mul3A_329 : i32
      %mul3A_331 = arith.constant 16 : i32
      %mul3A_332 = arith.muli %scan3A_309, %mul3A_331 : i32
      %add3A_333 = arith.addi %mul3A_330, %mul3A_332 : i32
      %swap3A_334 = arith.index_cast %add3A_333 : i32 to index
      %swap3A_335 = tpu.vector_load %arg8[%swap3A_334] {strides = array<i32>} : memref<3328xi32, #tpu.memory_space<vmem>>, vector<16xi32>,
      %swap3A_336 = vector.shape_cast %swap3A_335 : vector<16xi32> to vector<16xi32>
      %swap3A_337 = vector.shape_cast %add3A_328 : vector<16xi32> to vector<16xi32>
      tpu.vector_store %arg8[%swap3A_334], %swap3A_337 {strides = array<i32>} : memref<3328xi32, #tpu.memory_space<vmem>>, vector<16xi32>,
      %scan3A_338 = arith.constant 0 : i32
      %scan3A_339 = arith.constant 7 : i32
      %mul3A_340 = arith.constant 16 : i32
      %mul3A_341 = arith.muli %scan3A_339, %mul3A_340 : i32
      %get3A_342 = arith.index_cast %add3A_95 : i32 to index
      %get3A_343 = arith.index_cast %mul3A_341 : i32 to index
      %get3A_344 = tpu.vector_load %arg6[%get3A_342, %get3A_343] {strides = array<i32>} : memref<39x128xf32, #tpu.memory_space<vmem>>, vector<1x16xf32>,
      %get3A_345 = vector.shape_cast %get3A_344 : vector<1x16xf32> to vector<16xf32>
      %convert_element_type3A_346 = arith.fptosi %get3A_345 : vector<16xf32> to vector<16xi32>
      %shift_right_arithmetic3A_347 = arith.constant 7 : i32
      %shift_right_arithmetic3A_348 = vector.broadcast %shift_right_arithmetic3A_347 : i32 to vector<16xi32>
      %shift_right_arithmetic3A_349 = arith.shrsi %convert_element_type3A_346, %shift_right_arithmetic3A_348 : vector<16xi32>
      %mul3A_350 = arith.constant 1024 : i32
      %mul3A_351 = vector.broadcast %mul3A_350 : i32 to vector<16xi32>
      %mul3A_352 = arith.muli %shift_right_arithmetic3A_349, %mul3A_351 : vector<16xi32>
      %add3A_353 = vector.broadcast %add3A_130 : i32 to vector<16xi32>
      %add3A_354 = arith.addi %add3A_353, %mul3A_352 : vector<16xi32>
      %and3A_355 = arith.constant 127 : i32
      %and3A_356 = vector.broadcast %and3A_355 : i32 to vector<16xi32>
      %and3A_357 = arith.andi %convert_element_type3A_346, %and3A_356 : vector<16xi32>
      %add3A_358 = arith.addi %add3A_354, %and3A_357 : vector<16xi32>
      %mul3A_359 = arith.constant 128 : i32
      %mul3A_360 = arith.muli %scan3A_92, %mul3A_359 : i32
      %mul3A_361 = arith.constant 16 : i32
      %mul3A_362 = arith.muli %scan3A_339, %mul3A_361 : i32
      %add3A_363 = arith.addi %mul3A_360, %mul3A_362 : i32
      %swap3A_364 = arith.index_cast %add3A_363 : i32 to index
      %swap3A_365 = tpu.vector_load %arg8[%swap3A_364] {strides = array<i32>} : memref<3328xi32, #tpu.memory_space<vmem>>, vector<16xi32>,
      %swap3A_366 = vector.shape_cast %swap3A_365 : vector<16xi32> to vector<16xi32>
      %swap3A_367 = vector.shape_cast %add3A_358 : vector<16xi32> to vector<16xi32>
      tpu.vector_store %arg8[%swap3A_364], %swap3A_367 {strides = array<i32>} : memref<3328xi32, #tpu.memory_space<vmem>>, vector<16xi32>,
      %scan3A_368 = arith.constant 0 : i32
      %scan3A_369 = arith.constant 8 : i32
      %scan3A_370 = arith.constant 0 : i32
      scf.yield %scan3A_370 : i32
    }
    %scan3A_20 = arith.constant 7 : i32
    %dma_start3A_21 = arith.constant 768 : i32
    %dma_start3A_22 = tpu.memref_slice %arg9[%dma_start3A_21] : memref<3328xf32, #tpu.memory_space<vmem>> -> memref<896xf32, #tpu.memory_space<vmem>>
    %dma_start3A_23 = arith.constant 768 : i32
    %dma_start3A_24 = tpu.memref_slice %arg8[%dma_start3A_23] : memref<3328xi32, #tpu.memory_space<vmem>> -> memref<896xi32, #tpu.memory_space<vmem>>
    %dma_start3A_25 = arith.constant 0 : i32
    %dma_start3A_26 = tpu.memref_slice %arg3[%dma_start3A_25] : memref<3203072xf32, #tpu.memory_space<hbm>> -> memref<3203072xf32, #tpu.memory_space<hbm>>
    tpu.enqueue_indirect_dma source(%dma_start3A_26 : memref<3203072xf32, #tpu.memory_space<hbm>>) target(%dma_start3A_22 : memref<896xf32, #tpu.memory_space<vmem>>) offsets(%dma_start3A_24 : memref<896xi32, #tpu.memory_space<vmem>>) semaphore(%arg11 : memref<!tpu.dma_semaphore, #tpu.memory_space<semaphore_mem>>)
    %scan3A_27 = arith.constant 0 : i32
    %scan3A_28 = arith.constant 13 : i32
    %scan3A_29 = arith.constant 7 : i32
    %scan3A_30 = arith.addi %scan3A_28, %scan3A_29 : i32
    %scan3A_31 = arith.constant 1 : i32
    %scan3A_32 = scf.for %scan3A_92 = %scan3A_28 to %scan3A_30 step %scan3A_31 iter_args(%scan3A_93 = %scan3A_27) -> (i32)  : i32 {
      %add3A_94 = arith.constant 13 : i32
      %add3A_95 = arith.addi %add3A_94, %scan3A_92 : i32
      %jit3A = arith.constant 8 : i32
      %div3A = arith.divsi %scan3A_92, %jit3A : i32
      %sign3A = arith.constant 0 : i32
      %sign3A_96 = arith.cmpi sgt, %scan3A_92, %sign3A : i32
      %sign3A_97 = arith.extui %sign3A_96 : i1 to i32
      %sign3A_98 = arith.constant 0 : i32
      %sign3A_99 = arith.cmpi slt, %scan3A_92, %sign3A_98 : i32
      %sign3A_100 = arith.extui %sign3A_99 : i1 to i32
      %sign3A_101 = arith.subi %sign3A_97, %sign3A_100 : i32
      %sign3A_102 = arith.constant 0 : i32
      %sign3A_103 = arith.cmpi sgt, %jit3A, %sign3A_102 : i32
      %sign3A_104 = arith.extui %sign3A_103 : i1 to i32
      %sign3A_105 = arith.constant 0 : i32
      %sign3A_106 = arith.cmpi slt, %jit3A, %sign3A_105 : i32
      %sign3A_107 = arith.extui %sign3A_106 : i1 to i32
      %sign3A_108 = arith.subi %sign3A_104, %sign3A_107 : i32
      %ne3A = arith.cmpi ne, %sign3A_101, %sign3A_108 : i32
      %rem3A = arith.remsi %scan3A_92, %jit3A : i32
      %ne3A_109 = arith.constant 0 : i32
      %ne3A_110 = arith.cmpi ne, %rem3A, %ne3A_109 : i32
      %and3A = arith.andi %ne3A, %ne3A_110 : i1
      %sub3A = arith.constant 1 : i32
      %sub3A_111 = arith.subi %div3A, %sub3A : i32
      %select_n3A = arith.select %and3A, %sub3A_111, %div3A : i32
      %mul3A_112 = arith.constant 800768 : i32
      %mul3A_113 = arith.muli %select_n3A, %mul3A_112 : i32
      %jit3A_114 = arith.constant 8 : i32
      %eq3A = arith.constant 0 : i32
      %eq3A_115 = arith.cmpi eq, %jit3A_114, %eq3A : i32
      %jit3A_116 = arith.constant 1 : i32
      %select_n3A_117 = arith.select %eq3A_115, %jit3A_116, %jit3A_114 : i32
      %rem3A_118 = arith.remsi %scan3A_92, %select_n3A_117 : i32
      %ne3A_119 = arith.constant 0 : i32
      %ne3A_120 = arith.cmpi ne, %rem3A_118, %ne3A_119 : i32
      %lt3A = arith.constant 0 : i32
      %lt3A_121 = arith.cmpi slt, %rem3A_118, %lt3A : i32
      %lt3A_122 = arith.constant 0 : i32
      %lt3A_123 = arith.cmpi slt, %select_n3A_117, %lt3A_122 : i32
      %ne3A_124 = arith.xori %lt3A_121, %lt3A_123 : i1
      %and3A_125 = arith.andi %ne3A_124, %ne3A_120 : i1
      %add3A_126 = arith.addi %rem3A_118, %select_n3A_117 : i32
      %select_n3A_127 = arith.select %and3A_125, %add3A_126, %rem3A_118 : i32
      %mul3A_128 = arith.constant 128 : i32
      %mul3A_129 = arith.muli %select_n3A_127, %mul3A_128 : i32
      %add3A_130 = arith.addi %mul3A_113, %mul3A_129 : i32
      %scan3A_131 = arith.constant 0 : i32
      %scan3A_132 = arith.constant 0 : i32
      %mul3A_133 = arith.constant 16 : i32
      %mul3A_134 = arith.muli %scan3A_132, %mul3A_133 : i32
      %get3A_135 = arith.index_cast %add3A_95 : i32 to index
      %get3A_136 = arith.index_cast %mul3A_134 : i32 to index
      %get3A_137 = tpu.vector_load %arg6[%get3A_135, %get3A_136] {strides = array<i32>} : memref<39x128xf32, #tpu.memory_space<vmem>>, vector<1x16xf32>,
      %get3A_138 = vector.shape_cast %get3A_137 : vector<1x16xf32> to vector<16xf32>
      %convert_element_type3A = arith.fptosi %get3A_138 : vector<16xf32> to vector<16xi32>
      %shift_right_arithmetic3A = arith.constant 7 : i32
      %shift_right_arithmetic3A_139 = vector.broadcast %shift_right_arithmetic3A : i32 to vector<16xi32>
      %shift_right_arithmetic3A_140 = arith.shrsi %convert_element_type3A, %shift_right_arithmetic3A_139 : vector<16xi32>
      %mul3A_141 = arith.constant 1024 : i32
      %mul3A_142 = vector.broadcast %mul3A_141 : i32 to vector<16xi32>
      %mul3A_143 = arith.muli %shift_right_arithmetic3A_140, %mul3A_142 : vector<16xi32>
      %add3A_144 = vector.broadcast %add3A_130 : i32 to vector<16xi32>
      %add3A_145 = arith.addi %add3A_144, %mul3A_143 : vector<16xi32>
      %and3A_146 = arith.constant 127 : i32
      %and3A_147 = vector.broadcast %and3A_146 : i32 to vector<16xi32>
      %and3A_148 = arith.andi %convert_element_type3A, %and3A_147 : vector<16xi32>
      %add3A_149 = arith.addi %add3A_145, %and3A_148 : vector<16xi32>
      %mul3A_150 = arith.constant 128 : i32
      %mul3A_151 = arith.muli %scan3A_92, %mul3A_150 : i32
      %mul3A_152 = arith.constant 16 : i32
      %mul3A_153 = arith.muli %scan3A_132, %mul3A_152 : i32
      %add3A_154 = arith.addi %mul3A_151, %mul3A_153 : i32
      %swap3A = arith.index_cast %add3A_154 : i32 to index
      %swap3A_155 = tpu.vector_load %arg8[%swap3A] {strides = array<i32>} : memref<3328xi32, #tpu.memory_space<vmem>>, vector<16xi32>,
      %swap3A_156 = vector.shape_cast %swap3A_155 : vector<16xi32> to vector<16xi32>
      %swap3A_157 = vector.shape_cast %add3A_149 : vector<16xi32> to vector<16xi32>
      tpu.vector_store %arg8[%swap3A], %swap3A_157 {strides = array<i32>} : memref<3328xi32, #tpu.memory_space<vmem>>, vector<16xi32>,
      %scan3A_158 = arith.constant 0 : i32
      %scan3A_159 = arith.constant 1 : i32
      %mul3A_160 = arith.constant 16 : i32
      %mul3A_161 = arith.muli %scan3A_159, %mul3A_160 : i32
      %get3A_162 = arith.index_cast %add3A_95 : i32 to index
      %get3A_163 = arith.index_cast %mul3A_161 : i32 to index
      %get3A_164 = tpu.vector_load %arg6[%get3A_162, %get3A_163] {strides = array<i32>} : memref<39x128xf32, #tpu.memory_space<vmem>>, vector<1x16xf32>,
      %get3A_165 = vector.shape_cast %get3A_164 : vector<1x16xf32> to vector<16xf32>
      %convert_element_type3A_166 = arith.fptosi %get3A_165 : vector<16xf32> to vector<16xi32>
      %shift_right_arithmetic3A_167 = arith.constant 7 : i32
      %shift_right_arithmetic3A_168 = vector.broadcast %shift_right_arithmetic3A_167 : i32 to vector<16xi32>
      %shift_right_arithmetic3A_169 = arith.shrsi %convert_element_type3A_166, %shift_right_arithmetic3A_168 : vector<16xi32>
      %mul3A_170 = arith.constant 1024 : i32
      %mul3A_171 = vector.broadcast %mul3A_170 : i32 to vector<16xi32>
      %mul3A_172 = arith.muli %shift_right_arithmetic3A_169, %mul3A_171 : vector<16xi32>
      %add3A_173 = vector.broadcast %add3A_130 : i32 to vector<16xi32>
      %add3A_174 = arith.addi %add3A_173, %mul3A_172 : vector<16xi32>
      %and3A_175 = arith.constant 127 : i32
      %and3A_176 = vector.broadcast %and3A_175 : i32 to vector<16xi32>
      %and3A_177 = arith.andi %convert_element_type3A_166, %and3A_176 : vector<16xi32>
      %add3A_178 = arith.addi %add3A_174, %and3A_177 : vector<16xi32>
      %mul3A_179 = arith.constant 128 : i32
      %mul3A_180 = arith.muli %scan3A_92, %mul3A_179 : i32
      %mul3A_181 = arith.constant 16 : i32
      %mul3A_182 = arith.muli %scan3A_159, %mul3A_181 : i32
      %add3A_183 = arith.addi %mul3A_180, %mul3A_182 : i32
      %swap3A_184 = arith.index_cast %add3A_183 : i32 to index
      %swap3A_185 = tpu.vector_load %arg8[%swap3A_184] {strides = array<i32>} : memref<3328xi32, #tpu.memory_space<vmem>>, vector<16xi32>,
      %swap3A_186 = vector.shape_cast %swap3A_185 : vector<16xi32> to vector<16xi32>
      %swap3A_187 = vector.shape_cast %add3A_178 : vector<16xi32> to vector<16xi32>
      tpu.vector_store %arg8[%swap3A_184], %swap3A_187 {strides = array<i32>} : memref<3328xi32, #tpu.memory_space<vmem>>, vector<16xi32>,
      %scan3A_188 = arith.constant 0 : i32
      %scan3A_189 = arith.constant 2 : i32
      %mul3A_190 = arith.constant 16 : i32
      %mul3A_191 = arith.muli %scan3A_189, %mul3A_190 : i32
      %get3A_192 = arith.index_cast %add3A_95 : i32 to index
      %get3A_193 = arith.index_cast %mul3A_191 : i32 to index
      %get3A_194 = tpu.vector_load %arg6[%get3A_192, %get3A_193] {strides = array<i32>} : memref<39x128xf32, #tpu.memory_space<vmem>>, vector<1x16xf32>,
      %get3A_195 = vector.shape_cast %get3A_194 : vector<1x16xf32> to vector<16xf32>
      %convert_element_type3A_196 = arith.fptosi %get3A_195 : vector<16xf32> to vector<16xi32>
      %shift_right_arithmetic3A_197 = arith.constant 7 : i32
      %shift_right_arithmetic3A_198 = vector.broadcast %shift_right_arithmetic3A_197 : i32 to vector<16xi32>
      %shift_right_arithmetic3A_199 = arith.shrsi %convert_element_type3A_196, %shift_right_arithmetic3A_198 : vector<16xi32>
      %mul3A_200 = arith.constant 1024 : i32
      %mul3A_201 = vector.broadcast %mul3A_200 : i32 to vector<16xi32>
      %mul3A_202 = arith.muli %shift_right_arithmetic3A_199, %mul3A_201 : vector<16xi32>
      %add3A_203 = vector.broadcast %add3A_130 : i32 to vector<16xi32>
      %add3A_204 = arith.addi %add3A_203, %mul3A_202 : vector<16xi32>
      %and3A_205 = arith.constant 127 : i32
      %and3A_206 = vector.broadcast %and3A_205 : i32 to vector<16xi32>
      %and3A_207 = arith.andi %convert_element_type3A_196, %and3A_206 : vector<16xi32>
      %add3A_208 = arith.addi %add3A_204, %and3A_207 : vector<16xi32>
      %mul3A_209 = arith.constant 128 : i32
      %mul3A_210 = arith.muli %scan3A_92, %mul3A_209 : i32
      %mul3A_211 = arith.constant 16 : i32
      %mul3A_212 = arith.muli %scan3A_189, %mul3A_211 : i32
      %add3A_213 = arith.addi %mul3A_210, %mul3A_212 : i32
      %swap3A_214 = arith.index_cast %add3A_213 : i32 to index
      %swap3A_215 = tpu.vector_load %arg8[%swap3A_214] {strides = array<i32>} : memref<3328xi32, #tpu.memory_space<vmem>>, vector<16xi32>,
      %swap3A_216 = vector.shape_cast %swap3A_215 : vector<16xi32> to vector<16xi32>
      %swap3A_217 = vector.shape_cast %add3A_208 : vector<16xi32> to vector<16xi32>
      tpu.vector_store %arg8[%swap3A_214], %swap3A_217 {strides = array<i32>} : memref<3328xi32, #tpu.memory_space<vmem>>, vector<16xi32>,
      %scan3A_218 = arith.constant 0 : i32
      %scan3A_219 = arith.constant 3 : i32
      %mul3A_220 = arith.constant 16 : i32
      %mul3A_221 = arith.muli %scan3A_219, %mul3A_220 : i32
      %get3A_222 = arith.index_cast %add3A_95 : i32 to index
      %get3A_223 = arith.index_cast %mul3A_221 : i32 to index
      %get3A_224 = tpu.vector_load %arg6[%get3A_222, %get3A_223] {strides = array<i32>} : memref<39x128xf32, #tpu.memory_space<vmem>>, vector<1x16xf32>,
      %get3A_225 = vector.shape_cast %get3A_224 : vector<1x16xf32> to vector<16xf32>
      %convert_element_type3A_226 = arith.fptosi %get3A_225 : vector<16xf32> to vector<16xi32>
      %shift_right_arithmetic3A_227 = arith.constant 7 : i32
      %shift_right_arithmetic3A_228 = vector.broadcast %shift_right_arithmetic3A_227 : i32 to vector<16xi32>
      %shift_right_arithmetic3A_229 = arith.shrsi %convert_element_type3A_226, %shift_right_arithmetic3A_228 : vector<16xi32>
      %mul3A_230 = arith.constant 1024 : i32
      %mul3A_231 = vector.broadcast %mul3A_230 : i32 to vector<16xi32>
      %mul3A_232 = arith.muli %shift_right_arithmetic3A_229, %mul3A_231 : vector<16xi32>
      %add3A_233 = vector.broadcast %add3A_130 : i32 to vector<16xi32>
      %add3A_234 = arith.addi %add3A_233, %mul3A_232 : vector<16xi32>
      %and3A_235 = arith.constant 127 : i32
      %and3A_236 = vector.broadcast %and3A_235 : i32 to vector<16xi32>
      %and3A_237 = arith.andi %convert_element_type3A_226, %and3A_236 : vector<16xi32>
      %add3A_238 = arith.addi %add3A_234, %and3A_237 : vector<16xi32>
      %mul3A_239 = arith.constant 128 : i32
      %mul3A_240 = arith.muli %scan3A_92, %mul3A_239 : i32
      %mul3A_241 = arith.constant 16 : i32
      %mul3A_242 = arith.muli %scan3A_219, %mul3A_241 : i32
      %add3A_243 = arith.addi %mul3A_240, %mul3A_242 : i32
      %swap3A_244 = arith.index_cast %add3A_243 : i32 to index
      %swap3A_245 = tpu.vector_load %arg8[%swap3A_244] {strides = array<i32>} : memref<3328xi32, #tpu.memory_space<vmem>>, vector<16xi32>,
      %swap3A_246 = vector.shape_cast %swap3A_245 : vector<16xi32> to vector<16xi32>
      %swap3A_247 = vector.shape_cast %add3A_238 : vector<16xi32> to vector<16xi32>
      tpu.vector_store %arg8[%swap3A_244], %swap3A_247 {strides = array<i32>} : memref<3328xi32, #tpu.memory_space<vmem>>, vector<16xi32>,
      %scan3A_248 = arith.constant 0 : i32
      %scan3A_249 = arith.constant 4 : i32
      %mul3A_250 = arith.constant 16 : i32
      %mul3A_251 = arith.muli %scan3A_249, %mul3A_250 : i32
      %get3A_252 = arith.index_cast %add3A_95 : i32 to index
      %get3A_253 = arith.index_cast %mul3A_251 : i32 to index
      %get3A_254 = tpu.vector_load %arg6[%get3A_252, %get3A_253] {strides = array<i32>} : memref<39x128xf32, #tpu.memory_space<vmem>>, vector<1x16xf32>,
      %get3A_255 = vector.shape_cast %get3A_254 : vector<1x16xf32> to vector<16xf32>
      %convert_element_type3A_256 = arith.fptosi %get3A_255 : vector<16xf32> to vector<16xi32>
      %shift_right_arithmetic3A_257 = arith.constant 7 : i32
      %shift_right_arithmetic3A_258 = vector.broadcast %shift_right_arithmetic3A_257 : i32 to vector<16xi32>
      %shift_right_arithmetic3A_259 = arith.shrsi %convert_element_type3A_256, %shift_right_arithmetic3A_258 : vector<16xi32>
      %mul3A_260 = arith.constant 1024 : i32
      %mul3A_261 = vector.broadcast %mul3A_260 : i32 to vector<16xi32>
      %mul3A_262 = arith.muli %shift_right_arithmetic3A_259, %mul3A_261 : vector<16xi32>
      %add3A_263 = vector.broadcast %add3A_130 : i32 to vector<16xi32>
      %add3A_264 = arith.addi %add3A_263, %mul3A_262 : vector<16xi32>
      %and3A_265 = arith.constant 127 : i32
      %and3A_266 = vector.broadcast %and3A_265 : i32 to vector<16xi32>
      %and3A_267 = arith.andi %convert_element_type3A_256, %and3A_266 : vector<16xi32>
      %add3A_268 = arith.addi %add3A_264, %and3A_267 : vector<16xi32>
      %mul3A_269 = arith.constant 128 : i32
      %mul3A_270 = arith.muli %scan3A_92, %mul3A_269 : i32
      %mul3A_271 = arith.constant 16 : i32
      %mul3A_272 = arith.muli %scan3A_249, %mul3A_271 : i32
      %add3A_273 = arith.addi %mul3A_270, %mul3A_272 : i32
      %swap3A_274 = arith.index_cast %add3A_273 : i32 to index
      %swap3A_275 = tpu.vector_load %arg8[%swap3A_274] {strides = array<i32>} : memref<3328xi32, #tpu.memory_space<vmem>>, vector<16xi32>,
      %swap3A_276 = vector.shape_cast %swap3A_275 : vector<16xi32> to vector<16xi32>
      %swap3A_277 = vector.shape_cast %add3A_268 : vector<16xi32> to vector<16xi32>
      tpu.vector_store %arg8[%swap3A_274], %swap3A_277 {strides = array<i32>} : memref<3328xi32, #tpu.memory_space<vmem>>, vector<16xi32>,
      %scan3A_278 = arith.constant 0 : i32
      %scan3A_279 = arith.constant 5 : i32
      %mul3A_280 = arith.constant 16 : i32
      %mul3A_281 = arith.muli %scan3A_279, %mul3A_280 : i32
      %get3A_282 = arith.index_cast %add3A_95 : i32 to index
      %get3A_283 = arith.index_cast %mul3A_281 : i32 to index
      %get3A_284 = tpu.vector_load %arg6[%get3A_282, %get3A_283] {strides = array<i32>} : memref<39x128xf32, #tpu.memory_space<vmem>>, vector<1x16xf32>,
      %get3A_285 = vector.shape_cast %get3A_284 : vector<1x16xf32> to vector<16xf32>
      %convert_element_type3A_286 = arith.fptosi %get3A_285 : vector<16xf32> to vector<16xi32>
      %shift_right_arithmetic3A_287 = arith.constant 7 : i32
      %shift_right_arithmetic3A_288 = vector.broadcast %shift_right_arithmetic3A_287 : i32 to vector<16xi32>
      %shift_right_arithmetic3A_289 = arith.shrsi %convert_element_type3A_286, %shift_right_arithmetic3A_288 : vector<16xi32>
      %mul3A_290 = arith.constant 1024 : i32
      %mul3A_291 = vector.broadcast %mul3A_290 : i32 to vector<16xi32>
      %mul3A_292 = arith.muli %shift_right_arithmetic3A_289, %mul3A_291 : vector<16xi32>
      %add3A_293 = vector.broadcast %add3A_130 : i32 to vector<16xi32>
      %add3A_294 = arith.addi %add3A_293, %mul3A_292 : vector<16xi32>
      %and3A_295 = arith.constant 127 : i32
      %and3A_296 = vector.broadcast %and3A_295 : i32 to vector<16xi32>
      %and3A_297 = arith.andi %convert_element_type3A_286, %and3A_296 : vector<16xi32>
      %add3A_298 = arith.addi %add3A_294, %and3A_297 : vector<16xi32>
      %mul3A_299 = arith.constant 128 : i32
      %mul3A_300 = arith.muli %scan3A_92, %mul3A_299 : i32
      %mul3A_301 = arith.constant 16 : i32
      %mul3A_302 = arith.muli %scan3A_279, %mul3A_301 : i32
      %add3A_303 = arith.addi %mul3A_300, %mul3A_302 : i32
      %swap3A_304 = arith.index_cast %add3A_303 : i32 to index
      %swap3A_305 = tpu.vector_load %arg8[%swap3A_304] {strides = array<i32>} : memref<3328xi32, #tpu.memory_space<vmem>>, vector<16xi32>,
      %swap3A_306 = vector.shape_cast %swap3A_305 : vector<16xi32> to vector<16xi32>
      %swap3A_307 = vector.shape_cast %add3A_298 : vector<16xi32> to vector<16xi32>
      tpu.vector_store %arg8[%swap3A_304], %swap3A_307 {strides = array<i32>} : memref<3328xi32, #tpu.memory_space<vmem>>, vector<16xi32>,
      %scan3A_308 = arith.constant 0 : i32
      %scan3A_309 = arith.constant 6 : i32
      %mul3A_310 = arith.constant 16 : i32
      %mul3A_311 = arith.muli %scan3A_309, %mul3A_310 : i32
      %get3A_312 = arith.index_cast %add3A_95 : i32 to index
      %get3A_313 = arith.index_cast %mul3A_311 : i32 to index
      %get3A_314 = tpu.vector_load %arg6[%get3A_312, %get3A_313] {strides = array<i32>} : memref<39x128xf32, #tpu.memory_space<vmem>>, vector<1x16xf32>,
      %get3A_315 = vector.shape_cast %get3A_314 : vector<1x16xf32> to vector<16xf32>
      %convert_element_type3A_316 = arith.fptosi %get3A_315 : vector<16xf32> to vector<16xi32>
      %shift_right_arithmetic3A_317 = arith.constant 7 : i32
      %shift_right_arithmetic3A_318 = vector.broadcast %shift_right_arithmetic3A_317 : i32 to vector<16xi32>
      %shift_right_arithmetic3A_319 = arith.shrsi %convert_element_type3A_316, %shift_right_arithmetic3A_318 : vector<16xi32>
      %mul3A_320 = arith.constant 1024 : i32
      %mul3A_321 = vector.broadcast %mul3A_320 : i32 to vector<16xi32>
      %mul3A_322 = arith.muli %shift_right_arithmetic3A_319, %mul3A_321 : vector<16xi32>
      %add3A_323 = vector.broadcast %add3A_130 : i32 to vector<16xi32>
      %add3A_324 = arith.addi %add3A_323, %mul3A_322 : vector<16xi32>
      %and3A_325 = arith.constant 127 : i32
      %and3A_326 = vector.broadcast %and3A_325 : i32 to vector<16xi32>
      %and3A_327 = arith.andi %convert_element_type3A_316, %and3A_326 : vector<16xi32>
      %add3A_328 = arith.addi %add3A_324, %and3A_327 : vector<16xi32>
      %mul3A_329 = arith.constant 128 : i32
      %mul3A_330 = arith.muli %scan3A_92, %mul3A_329 : i32
      %mul3A_331 = arith.constant 16 : i32
      %mul3A_332 = arith.muli %scan3A_309, %mul3A_331 : i32
      %add3A_333 = arith.addi %mul3A_330, %mul3A_332 : i32
      %swap3A_334 = arith.index_cast %add3A_333 : i32 to index
      %swap3A_335 = tpu.vector_load %arg8[%swap3A_334] {strides = array<i32>} : memref<3328xi32, #tpu.memory_space<vmem>>, vector<16xi32>,
      %swap3A_336 = vector.shape_cast %swap3A_335 : vector<16xi32> to vector<16xi32>
      %swap3A_337 = vector.shape_cast %add3A_328 : vector<16xi32> to vector<16xi32>
      tpu.vector_store %arg8[%swap3A_334], %swap3A_337 {strides = array<i32>} : memref<3328xi32, #tpu.memory_space<vmem>>, vector<16xi32>,
      %scan3A_338 = arith.constant 0 : i32
      %scan3A_339 = arith.constant 7 : i32
      %mul3A_340 = arith.constant 16 : i32
      %mul3A_341 = arith.muli %scan3A_339, %mul3A_340 : i32
      %get3A_342 = arith.index_cast %add3A_95 : i32 to index
      %get3A_343 = arith.index_cast %mul3A_341 : i32 to index
      %get3A_344 = tpu.vector_load %arg6[%get3A_342, %get3A_343] {strides = array<i32>} : memref<39x128xf32, #tpu.memory_space<vmem>>, vector<1x16xf32>,
      %get3A_345 = vector.shape_cast %get3A_344 : vector<1x16xf32> to vector<16xf32>
      %convert_element_type3A_346 = arith.fptosi %get3A_345 : vector<16xf32> to vector<16xi32>
      %shift_right_arithmetic3A_347 = arith.constant 7 : i32
      %shift_right_arithmetic3A_348 = vector.broadcast %shift_right_arithmetic3A_347 : i32 to vector<16xi32>
      %shift_right_arithmetic3A_349 = arith.shrsi %convert_element_type3A_346, %shift_right_arithmetic3A_348 : vector<16xi32>
      %mul3A_350 = arith.constant 1024 : i32
      %mul3A_351 = vector.broadcast %mul3A_350 : i32 to vector<16xi32>
      %mul3A_352 = arith.muli %shift_right_arithmetic3A_349, %mul3A_351 : vector<16xi32>
      %add3A_353 = vector.broadcast %add3A_130 : i32 to vector<16xi32>
      %add3A_354 = arith.addi %add3A_353, %mul3A_352 : vector<16xi32>
      %and3A_355 = arith.constant 127 : i32
      %and3A_356 = vector.broadcast %and3A_355 : i32 to vector<16xi32>
      %and3A_357 = arith.andi %convert_element_type3A_346, %and3A_356 : vector<16xi32>
      %add3A_358 = arith.addi %add3A_354, %and3A_357 : vector<16xi32>
      %mul3A_359 = arith.constant 128 : i32
      %mul3A_360 = arith.muli %scan3A_92, %mul3A_359 : i32
      %mul3A_361 = arith.constant 16 : i32
      %mul3A_362 = arith.muli %scan3A_339, %mul3A_361 : i32
      %add3A_363 = arith.addi %mul3A_360, %mul3A_362 : i32
      %swap3A_364 = arith.index_cast %add3A_363 : i32 to index
      %swap3A_365 = tpu.vector_load %arg8[%swap3A_364] {strides = array<i32>} : memref<3328xi32, #tpu.memory_space<vmem>>, vector<16xi32>,
      %swap3A_366 = vector.shape_cast %swap3A_365 : vector<16xi32> to vector<16xi32>
      %swap3A_367 = vector.shape_cast %add3A_358 : vector<16xi32> to vector<16xi32>
      tpu.vector_store %arg8[%swap3A_364], %swap3A_367 {strides = array<i32>} : memref<3328xi32, #tpu.memory_space<vmem>>, vector<16xi32>,
      %scan3A_368 = arith.constant 0 : i32
      %scan3A_369 = arith.constant 8 : i32
      %scan3A_370 = arith.constant 0 : i32
      scf.yield %scan3A_370 : i32
    }
    %scan3A_33 = arith.constant 7 : i32
    %dma_start3A_34 = arith.constant 1664 : i32
    %dma_start3A_35 = tpu.memref_slice %arg9[%dma_start3A_34] : memref<3328xf32, #tpu.memory_space<vmem>> -> memref<896xf32, #tpu.memory_space<vmem>>
    %dma_start3A_36 = arith.constant 1664 : i32
    %dma_start3A_37 = tpu.memref_slice %arg8[%dma_start3A_36] : memref<3328xi32, #tpu.memory_space<vmem>> -> memref<896xi32, #tpu.memory_space<vmem>>
    %dma_start3A_38 = arith.constant 0 : i32
    %dma_start3A_39 = tpu.memref_slice %arg3[%dma_start3A_38] : memref<3203072xf32, #tpu.memory_space<hbm>> -> memref<3203072xf32, #tpu.memory_space<hbm>>
    tpu.enqueue_indirect_dma source(%dma_start3A_39 : memref<3203072xf32, #tpu.memory_space<hbm>>) target(%dma_start3A_35 : memref<896xf32, #tpu.memory_space<vmem>>) offsets(%dma_start3A_37 : memref<896xi32, #tpu.memory_space<vmem>>) semaphore(%arg11 : memref<!tpu.dma_semaphore, #tpu.memory_space<semaphore_mem>>)
    %scan3A_40 = arith.constant 0 : i32
    %scan3A_41 = arith.constant 20 : i32
    %scan3A_42 = arith.constant 6 : i32
    %scan3A_43 = arith.addi %scan3A_41, %scan3A_42 : i32
    %scan3A_44 = arith.constant 1 : i32
    %scan3A_45 = scf.for %scan3A_92 = %scan3A_41 to %scan3A_43 step %scan3A_44 iter_args(%scan3A_93 = %scan3A_40) -> (i32)  : i32 {
      %add3A_94 = arith.constant 13 : i32
      %add3A_95 = arith.addi %add3A_94, %scan3A_92 : i32
      %jit3A = arith.constant 8 : i32
      %div3A = arith.divsi %scan3A_92, %jit3A : i32
      %sign3A = arith.constant 0 : i32
      %sign3A_96 = arith.cmpi sgt, %scan3A_92, %sign3A : i32
      %sign3A_97 = arith.extui %sign3A_96 : i1 to i32
      %sign3A_98 = arith.constant 0 : i32
      %sign3A_99 = arith.cmpi slt, %scan3A_92, %sign3A_98 : i32
      %sign3A_100 = arith.extui %sign3A_99 : i1 to i32
      %sign3A_101 = arith.subi %sign3A_97, %sign3A_100 : i32
      %sign3A_102 = arith.constant 0 : i32
      %sign3A_103 = arith.cmpi sgt, %jit3A, %sign3A_102 : i32
      %sign3A_104 = arith.extui %sign3A_103 : i1 to i32
      %sign3A_105 = arith.constant 0 : i32
      %sign3A_106 = arith.cmpi slt, %jit3A, %sign3A_105 : i32
      %sign3A_107 = arith.extui %sign3A_106 : i1 to i32
      %sign3A_108 = arith.subi %sign3A_104, %sign3A_107 : i32
      %ne3A = arith.cmpi ne, %sign3A_101, %sign3A_108 : i32
      %rem3A = arith.remsi %scan3A_92, %jit3A : i32
      %ne3A_109 = arith.constant 0 : i32
      %ne3A_110 = arith.cmpi ne, %rem3A, %ne3A_109 : i32
      %and3A = arith.andi %ne3A, %ne3A_110 : i1
      %sub3A = arith.constant 1 : i32
      %sub3A_111 = arith.subi %div3A, %sub3A : i32
      %select_n3A = arith.select %and3A, %sub3A_111, %div3A : i32
      %mul3A_112 = arith.constant 800768 : i32
      %mul3A_113 = arith.muli %select_n3A, %mul3A_112 : i32
      %jit3A_114 = arith.constant 8 : i32
      %eq3A = arith.constant 0 : i32
      %eq3A_115 = arith.cmpi eq, %jit3A_114, %eq3A : i32
      %jit3A_116 = arith.constant 1 : i32
      %select_n3A_117 = arith.select %eq3A_115, %jit3A_116, %jit3A_114 : i32
      %rem3A_118 = arith.remsi %scan3A_92, %select_n3A_117 : i32
      %ne3A_119 = arith.constant 0 : i32
      %ne3A_120 = arith.cmpi ne, %rem3A_118, %ne3A_119 : i32
      %lt3A = arith.constant 0 : i32
      %lt3A_121 = arith.cmpi slt, %rem3A_118, %lt3A : i32
      %lt3A_122 = arith.constant 0 : i32
      %lt3A_123 = arith.cmpi slt, %select_n3A_117, %lt3A_122 : i32
      %ne3A_124 = arith.xori %lt3A_121, %lt3A_123 : i1
      %and3A_125 = arith.andi %ne3A_124, %ne3A_120 : i1
      %add3A_126 = arith.addi %rem3A_118, %select_n3A_117 : i32
      %select_n3A_127 = arith.select %and3A_125, %add3A_126, %rem3A_118 : i32
      %mul3A_128 = arith.constant 128 : i32
      %mul3A_129 = arith.muli %select_n3A_127, %mul3A_128 : i32
      %add3A_130 = arith.addi %mul3A_113, %mul3A_129 : i32
      %scan3A_131 = arith.constant 0 : i32
      %scan3A_132 = arith.constant 0 : i32
      %mul3A_133 = arith.constant 16 : i32
      %mul3A_134 = arith.muli %scan3A_132, %mul3A_133 : i32
      %get3A_135 = arith.index_cast %add3A_95 : i32 to index
      %get3A_136 = arith.index_cast %mul3A_134 : i32 to index
      %get3A_137 = tpu.vector_load %arg6[%get3A_135, %get3A_136] {strides = array<i32>} : memref<39x128xf32, #tpu.memory_space<vmem>>, vector<1x16xf32>,
      %get3A_138 = vector.shape_cast %get3A_137 : vector<1x16xf32> to vector<16xf32>
      %convert_element_type3A = arith.fptosi %get3A_138 : vector<16xf32> to vector<16xi32>
      %shift_right_arithmetic3A = arith.constant 7 : i32
      %shift_right_arithmetic3A_139 = vector.broadcast %shift_right_arithmetic3A : i32 to vector<16xi32>
      %shift_right_arithmetic3A_140 = arith.shrsi %convert_element_type3A, %shift_right_arithmetic3A_139 : vector<16xi32>
      %mul3A_141 = arith.constant 1024 : i32
      %mul3A_142 = vector.broadcast %mul3A_141 : i32 to vector<16xi32>
      %mul3A_143 = arith.muli %shift_right_arithmetic3A_140, %mul3A_142 : vector<16xi32>
      %add3A_144 = vector.broadcast %add3A_130 : i32 to vector<16xi32>
      %add3A_145 = arith.addi %add3A_144, %mul3A_143 : vector<16xi32>
      %and3A_146 = arith.constant 127 : i32
      %and3A_147 = vector.broadcast %and3A_146 : i32 to vector<16xi32>
      %and3A_148 = arith.andi %convert_element_type3A, %and3A_147 : vector<16xi32>
      %add3A_149 = arith.addi %add3A_145, %and3A_148 : vector<16xi32>
      %mul3A_150 = arith.constant 128 : i32
      %mul3A_151 = arith.muli %scan3A_92, %mul3A_150 : i32
      %mul3A_152 = arith.constant 16 : i32
      %mul3A_153 = arith.muli %scan3A_132, %mul3A_152 : i32
      %add3A_154 = arith.addi %mul3A_151, %mul3A_153 : i32
      %swap3A = arith.index_cast %add3A_154 : i32 to index
      %swap3A_155 = tpu.vector_load %arg8[%swap3A] {strides = array<i32>} : memref<3328xi32, #tpu.memory_space<vmem>>, vector<16xi32>,
      %swap3A_156 = vector.shape_cast %swap3A_155 : vector<16xi32> to vector<16xi32>
      %swap3A_157 = vector.shape_cast %add3A_149 : vector<16xi32> to vector<16xi32>
      tpu.vector_store %arg8[%swap3A], %swap3A_157 {strides = array<i32>} : memref<3328xi32, #tpu.memory_space<vmem>>, vector<16xi32>,
      %scan3A_158 = arith.constant 0 : i32
      %scan3A_159 = arith.constant 1 : i32
      %mul3A_160 = arith.constant 16 : i32
      %mul3A_161 = arith.muli %scan3A_159, %mul3A_160 : i32
      %get3A_162 = arith.index_cast %add3A_95 : i32 to index
      %get3A_163 = arith.index_cast %mul3A_161 : i32 to index
      %get3A_164 = tpu.vector_load %arg6[%get3A_162, %get3A_163] {strides = array<i32>} : memref<39x128xf32, #tpu.memory_space<vmem>>, vector<1x16xf32>,
      %get3A_165 = vector.shape_cast %get3A_164 : vector<1x16xf32> to vector<16xf32>
      %convert_element_type3A_166 = arith.fptosi %get3A_165 : vector<16xf32> to vector<16xi32>
      %shift_right_arithmetic3A_167 = arith.constant 7 : i32
      %shift_right_arithmetic3A_168 = vector.broadcast %shift_right_arithmetic3A_167 : i32 to vector<16xi32>
      %shift_right_arithmetic3A_169 = arith.shrsi %convert_element_type3A_166, %shift_right_arithmetic3A_168 : vector<16xi32>
      %mul3A_170 = arith.constant 1024 : i32
      %mul3A_171 = vector.broadcast %mul3A_170 : i32 to vector<16xi32>
      %mul3A_172 = arith.muli %shift_right_arithmetic3A_169, %mul3A_171 : vector<16xi32>
      %add3A_173 = vector.broadcast %add3A_130 : i32 to vector<16xi32>
      %add3A_174 = arith.addi %add3A_173, %mul3A_172 : vector<16xi32>
      %and3A_175 = arith.constant 127 : i32
      %and3A_176 = vector.broadcast %and3A_175 : i32 to vector<16xi32>
      %and3A_177 = arith.andi %convert_element_type3A_166, %and3A_176 : vector<16xi32>
      %add3A_178 = arith.addi %add3A_174, %and3A_177 : vector<16xi32>
      %mul3A_179 = arith.constant 128 : i32
      %mul3A_180 = arith.muli %scan3A_92, %mul3A_179 : i32
      %mul3A_181 = arith.constant 16 : i32
      %mul3A_182 = arith.muli %scan3A_159, %mul3A_181 : i32
      %add3A_183 = arith.addi %mul3A_180, %mul3A_182 : i32
      %swap3A_184 = arith.index_cast %add3A_183 : i32 to index
      %swap3A_185 = tpu.vector_load %arg8[%swap3A_184] {strides = array<i32>} : memref<3328xi32, #tpu.memory_space<vmem>>, vector<16xi32>,
      %swap3A_186 = vector.shape_cast %swap3A_185 : vector<16xi32> to vector<16xi32>
      %swap3A_187 = vector.shape_cast %add3A_178 : vector<16xi32> to vector<16xi32>
      tpu.vector_store %arg8[%swap3A_184], %swap3A_187 {strides = array<i32>} : memref<3328xi32, #tpu.memory_space<vmem>>, vector<16xi32>,
      %scan3A_188 = arith.constant 0 : i32
      %scan3A_189 = arith.constant 2 : i32
      %mul3A_190 = arith.constant 16 : i32
      %mul3A_191 = arith.muli %scan3A_189, %mul3A_190 : i32
      %get3A_192 = arith.index_cast %add3A_95 : i32 to index
      %get3A_193 = arith.index_cast %mul3A_191 : i32 to index
      %get3A_194 = tpu.vector_load %arg6[%get3A_192, %get3A_193] {strides = array<i32>} : memref<39x128xf32, #tpu.memory_space<vmem>>, vector<1x16xf32>,
      %get3A_195 = vector.shape_cast %get3A_194 : vector<1x16xf32> to vector<16xf32>
      %convert_element_type3A_196 = arith.fptosi %get3A_195 : vector<16xf32> to vector<16xi32>
      %shift_right_arithmetic3A_197 = arith.constant 7 : i32
      %shift_right_arithmetic3A_198 = vector.broadcast %shift_right_arithmetic3A_197 : i32 to vector<16xi32>
      %shift_right_arithmetic3A_199 = arith.shrsi %convert_element_type3A_196, %shift_right_arithmetic3A_198 : vector<16xi32>
      %mul3A_200 = arith.constant 1024 : i32
      %mul3A_201 = vector.broadcast %mul3A_200 : i32 to vector<16xi32>
      %mul3A_202 = arith.muli %shift_right_arithmetic3A_199, %mul3A_201 : vector<16xi32>
      %add3A_203 = vector.broadcast %add3A_130 : i32 to vector<16xi32>
      %add3A_204 = arith.addi %add3A_203, %mul3A_202 : vector<16xi32>
      %and3A_205 = arith.constant 127 : i32
      %and3A_206 = vector.broadcast %and3A_205 : i32 to vector<16xi32>
      %and3A_207 = arith.andi %convert_element_type3A_196, %and3A_206 : vector<16xi32>
      %add3A_208 = arith.addi %add3A_204, %and3A_207 : vector<16xi32>
      %mul3A_209 = arith.constant 128 : i32
      %mul3A_210 = arith.muli %scan3A_92, %mul3A_209 : i32
      %mul3A_211 = arith.constant 16 : i32
      %mul3A_212 = arith.muli %scan3A_189, %mul3A_211 : i32
      %add3A_213 = arith.addi %mul3A_210, %mul3A_212 : i32
      %swap3A_214 = arith.index_cast %add3A_213 : i32 to index
      %swap3A_215 = tpu.vector_load %arg8[%swap3A_214] {strides = array<i32>} : memref<3328xi32, #tpu.memory_space<vmem>>, vector<16xi32>,
      %swap3A_216 = vector.shape_cast %swap3A_215 : vector<16xi32> to vector<16xi32>
      %swap3A_217 = vector.shape_cast %add3A_208 : vector<16xi32> to vector<16xi32>
      tpu.vector_store %arg8[%swap3A_214], %swap3A_217 {strides = array<i32>} : memref<3328xi32, #tpu.memory_space<vmem>>, vector<16xi32>,
      %scan3A_218 = arith.constant 0 : i32
      %scan3A_219 = arith.constant 3 : i32
      %mul3A_220 = arith.constant 16 : i32
      %mul3A_221 = arith.muli %scan3A_219, %mul3A_220 : i32
      %get3A_222 = arith.index_cast %add3A_95 : i32 to index
      %get3A_223 = arith.index_cast %mul3A_221 : i32 to index
      %get3A_224 = tpu.vector_load %arg6[%get3A_222, %get3A_223] {strides = array<i32>} : memref<39x128xf32, #tpu.memory_space<vmem>>, vector<1x16xf32>,
      %get3A_225 = vector.shape_cast %get3A_224 : vector<1x16xf32> to vector<16xf32>
      %convert_element_type3A_226 = arith.fptosi %get3A_225 : vector<16xf32> to vector<16xi32>
      %shift_right_arithmetic3A_227 = arith.constant 7 : i32
      %shift_right_arithmetic3A_228 = vector.broadcast %shift_right_arithmetic3A_227 : i32 to vector<16xi32>
      %shift_right_arithmetic3A_229 = arith.shrsi %convert_element_type3A_226, %shift_right_arithmetic3A_228 : vector<16xi32>
      %mul3A_230 = arith.constant 1024 : i32
      %mul3A_231 = vector.broadcast %mul3A_230 : i32 to vector<16xi32>
      %mul3A_232 = arith.muli %shift_right_arithmetic3A_229, %mul3A_231 : vector<16xi32>
      %add3A_233 = vector.broadcast %add3A_130 : i32 to vector<16xi32>
      %add3A_234 = arith.addi %add3A_233, %mul3A_232 : vector<16xi32>
      %and3A_235 = arith.constant 127 : i32
      %and3A_236 = vector.broadcast %and3A_235 : i32 to vector<16xi32>
      %and3A_237 = arith.andi %convert_element_type3A_226, %and3A_236 : vector<16xi32>
      %add3A_238 = arith.addi %add3A_234, %and3A_237 : vector<16xi32>
      %mul3A_239 = arith.constant 128 : i32
      %mul3A_240 = arith.muli %scan3A_92, %mul3A_239 : i32
      %mul3A_241 = arith.constant 16 : i32
      %mul3A_242 = arith.muli %scan3A_219, %mul3A_241 : i32
      %add3A_243 = arith.addi %mul3A_240, %mul3A_242 : i32
      %swap3A_244 = arith.index_cast %add3A_243 : i32 to index
      %swap3A_245 = tpu.vector_load %arg8[%swap3A_244] {strides = array<i32>} : memref<3328xi32, #tpu.memory_space<vmem>>, vector<16xi32>,
      %swap3A_246 = vector.shape_cast %swap3A_245 : vector<16xi32> to vector<16xi32>
      %swap3A_247 = vector.shape_cast %add3A_238 : vector<16xi32> to vector<16xi32>
      tpu.vector_store %arg8[%swap3A_244], %swap3A_247 {strides = array<i32>} : memref<3328xi32, #tpu.memory_space<vmem>>, vector<16xi32>,
      %scan3A_248 = arith.constant 0 : i32
      %scan3A_249 = arith.constant 4 : i32
      %mul3A_250 = arith.constant 16 : i32
      %mul3A_251 = arith.muli %scan3A_249, %mul3A_250 : i32
      %get3A_252 = arith.index_cast %add3A_95 : i32 to index
      %get3A_253 = arith.index_cast %mul3A_251 : i32 to index
      %get3A_254 = tpu.vector_load %arg6[%get3A_252, %get3A_253] {strides = array<i32>} : memref<39x128xf32, #tpu.memory_space<vmem>>, vector<1x16xf32>,
      %get3A_255 = vector.shape_cast %get3A_254 : vector<1x16xf32> to vector<16xf32>
      %convert_element_type3A_256 = arith.fptosi %get3A_255 : vector<16xf32> to vector<16xi32>
      %shift_right_arithmetic3A_257 = arith.constant 7 : i32
      %shift_right_arithmetic3A_258 = vector.broadcast %shift_right_arithmetic3A_257 : i32 to vector<16xi32>
      %shift_right_arithmetic3A_259 = arith.shrsi %convert_element_type3A_256, %shift_right_arithmetic3A_258 : vector<16xi32>
      %mul3A_260 = arith.constant 1024 : i32
      %mul3A_261 = vector.broadcast %mul3A_260 : i32 to vector<16xi32>
      %mul3A_262 = arith.muli %shift_right_arithmetic3A_259, %mul3A_261 : vector<16xi32>
      %add3A_263 = vector.broadcast %add3A_130 : i32 to vector<16xi32>
      %add3A_264 = arith.addi %add3A_263, %mul3A_262 : vector<16xi32>
      %and3A_265 = arith.constant 127 : i32
      %and3A_266 = vector.broadcast %and3A_265 : i32 to vector<16xi32>
      %and3A_267 = arith.andi %convert_element_type3A_256, %and3A_266 : vector<16xi32>
      %add3A_268 = arith.addi %add3A_264, %and3A_267 : vector<16xi32>
      %mul3A_269 = arith.constant 128 : i32
      %mul3A_270 = arith.muli %scan3A_92, %mul3A_269 : i32
      %mul3A_271 = arith.constant 16 : i32
      %mul3A_272 = arith.muli %scan3A_249, %mul3A_271 : i32
      %add3A_273 = arith.addi %mul3A_270, %mul3A_272 : i32
      %swap3A_274 = arith.index_cast %add3A_273 : i32 to index
      %swap3A_275 = tpu.vector_load %arg8[%swap3A_274] {strides = array<i32>} : memref<3328xi32, #tpu.memory_space<vmem>>, vector<16xi32>,
      %swap3A_276 = vector.shape_cast %swap3A_275 : vector<16xi32> to vector<16xi32>
      %swap3A_277 = vector.shape_cast %add3A_268 : vector<16xi32> to vector<16xi32>
      tpu.vector_store %arg8[%swap3A_274], %swap3A_277 {strides = array<i32>} : memref<3328xi32, #tpu.memory_space<vmem>>, vector<16xi32>,
      %scan3A_278 = arith.constant 0 : i32
      %scan3A_279 = arith.constant 5 : i32
      %mul3A_280 = arith.constant 16 : i32
      %mul3A_281 = arith.muli %scan3A_279, %mul3A_280 : i32
      %get3A_282 = arith.index_cast %add3A_95 : i32 to index
      %get3A_283 = arith.index_cast %mul3A_281 : i32 to index
      %get3A_284 = tpu.vector_load %arg6[%get3A_282, %get3A_283] {strides = array<i32>} : memref<39x128xf32, #tpu.memory_space<vmem>>, vector<1x16xf32>,
      %get3A_285 = vector.shape_cast %get3A_284 : vector<1x16xf32> to vector<16xf32>
      %convert_element_type3A_286 = arith.fptosi %get3A_285 : vector<16xf32> to vector<16xi32>
      %shift_right_arithmetic3A_287 = arith.constant 7 : i32
      %shift_right_arithmetic3A_288 = vector.broadcast %shift_right_arithmetic3A_287 : i32 to vector<16xi32>
      %shift_right_arithmetic3A_289 = arith.shrsi %convert_element_type3A_286, %shift_right_arithmetic3A_288 : vector<16xi32>
      %mul3A_290 = arith.constant 1024 : i32
      %mul3A_291 = vector.broadcast %mul3A_290 : i32 to vector<16xi32>
      %mul3A_292 = arith.muli %shift_right_arithmetic3A_289, %mul3A_291 : vector<16xi32>
      %add3A_293 = vector.broadcast %add3A_130 : i32 to vector<16xi32>
      %add3A_294 = arith.addi %add3A_293, %mul3A_292 : vector<16xi32>
      %and3A_295 = arith.constant 127 : i32
      %and3A_296 = vector.broadcast %and3A_295 : i32 to vector<16xi32>
      %and3A_297 = arith.andi %convert_element_type3A_286, %and3A_296 : vector<16xi32>
      %add3A_298 = arith.addi %add3A_294, %and3A_297 : vector<16xi32>
      %mul3A_299 = arith.constant 128 : i32
      %mul3A_300 = arith.muli %scan3A_92, %mul3A_299 : i32
      %mul3A_301 = arith.constant 16 : i32
      %mul3A_302 = arith.muli %scan3A_279, %mul3A_301 : i32
      %add3A_303 = arith.addi %mul3A_300, %mul3A_302 : i32
      %swap3A_304 = arith.index_cast %add3A_303 : i32 to index
      %swap3A_305 = tpu.vector_load %arg8[%swap3A_304] {strides = array<i32>} : memref<3328xi32, #tpu.memory_space<vmem>>, vector<16xi32>,
      %swap3A_306 = vector.shape_cast %swap3A_305 : vector<16xi32> to vector<16xi32>
      %swap3A_307 = vector.shape_cast %add3A_298 : vector<16xi32> to vector<16xi32>
      tpu.vector_store %arg8[%swap3A_304], %swap3A_307 {strides = array<i32>} : memref<3328xi32, #tpu.memory_space<vmem>>, vector<16xi32>,
      %scan3A_308 = arith.constant 0 : i32
      %scan3A_309 = arith.constant 6 : i32
      %mul3A_310 = arith.constant 16 : i32
      %mul3A_311 = arith.muli %scan3A_309, %mul3A_310 : i32
      %get3A_312 = arith.index_cast %add3A_95 : i32 to index
      %get3A_313 = arith.index_cast %mul3A_311 : i32 to index
      %get3A_314 = tpu.vector_load %arg6[%get3A_312, %get3A_313] {strides = array<i32>} : memref<39x128xf32, #tpu.memory_space<vmem>>, vector<1x16xf32>,
      %get3A_315 = vector.shape_cast %get3A_314 : vector<1x16xf32> to vector<16xf32>
      %convert_element_type3A_316 = arith.fptosi %get3A_315 : vector<16xf32> to vector<16xi32>
      %shift_right_arithmetic3A_317 = arith.constant 7 : i32
      %shift_right_arithmetic3A_318 = vector.broadcast %shift_right_arithmetic3A_317 : i32 to vector<16xi32>
      %shift_right_arithmetic3A_319 = arith.shrsi %convert_element_type3A_316, %shift_right_arithmetic3A_318 : vector<16xi32>
      %mul3A_320 = arith.constant 1024 : i32
      %mul3A_321 = vector.broadcast %mul3A_320 : i32 to vector<16xi32>
      %mul3A_322 = arith.muli %shift_right_arithmetic3A_319, %mul3A_321 : vector<16xi32>
      %add3A_323 = vector.broadcast %add3A_130 : i32 to vector<16xi32>
      %add3A_324 = arith.addi %add3A_323, %mul3A_322 : vector<16xi32>
      %and3A_325 = arith.constant 127 : i32
      %and3A_326 = vector.broadcast %and3A_325 : i32 to vector<16xi32>
      %and3A_327 = arith.andi %convert_element_type3A_316, %and3A_326 : vector<16xi32>
      %add3A_328 = arith.addi %add3A_324, %and3A_327 : vector<16xi32>
      %mul3A_329 = arith.constant 128 : i32
      %mul3A_330 = arith.muli %scan3A_92, %mul3A_329 : i32
      %mul3A_331 = arith.constant 16 : i32
      %mul3A_332 = arith.muli %scan3A_309, %mul3A_331 : i32
      %add3A_333 = arith.addi %mul3A_330, %mul3A_332 : i32
      %swap3A_334 = arith.index_cast %add3A_333 : i32 to index
      %swap3A_335 = tpu.vector_load %arg8[%swap3A_334] {strides = array<i32>} : memref<3328xi32, #tpu.memory_space<vmem>>, vector<16xi32>,
      %swap3A_336 = vector.shape_cast %swap3A_335 : vector<16xi32> to vector<16xi32>
      %swap3A_337 = vector.shape_cast %add3A_328 : vector<16xi32> to vector<16xi32>
      tpu.vector_store %arg8[%swap3A_334], %swap3A_337 {strides = array<i32>} : memref<3328xi32, #tpu.memory_space<vmem>>, vector<16xi32>,
      %scan3A_338 = arith.constant 0 : i32
      %scan3A_339 = arith.constant 7 : i32
      %mul3A_340 = arith.constant 16 : i32
      %mul3A_341 = arith.muli %scan3A_339, %mul3A_340 : i32
      %get3A_342 = arith.index_cast %add3A_95 : i32 to index
      %get3A_343 = arith.index_cast %mul3A_341 : i32 to index
      %get3A_344 = tpu.vector_load %arg6[%get3A_342, %get3A_343] {strides = array<i32>} : memref<39x128xf32, #tpu.memory_space<vmem>>, vector<1x16xf32>,
      %get3A_345 = vector.shape_cast %get3A_344 : vector<1x16xf32> to vector<16xf32>
      %convert_element_type3A_346 = arith.fptosi %get3A_345 : vector<16xf32> to vector<16xi32>
      %shift_right_arithmetic3A_347 = arith.constant 7 : i32
      %shift_right_arithmetic3A_348 = vector.broadcast %shift_right_arithmetic3A_347 : i32 to vector<16xi32>
      %shift_right_arithmetic3A_349 = arith.shrsi %convert_element_type3A_346, %shift_right_arithmetic3A_348 : vector<16xi32>
      %mul3A_350 = arith.constant 1024 : i32
      %mul3A_351 = vector.broadcast %mul3A_350 : i32 to vector<16xi32>
      %mul3A_352 = arith.muli %shift_right_arithmetic3A_349, %mul3A_351 : vector<16xi32>
      %add3A_353 = vector.broadcast %add3A_130 : i32 to vector<16xi32>
      %add3A_354 = arith.addi %add3A_353, %mul3A_352 : vector<16xi32>
      %and3A_355 = arith.constant 127 : i32
      %and3A_356 = vector.broadcast %and3A_355 : i32 to vector<16xi32>
      %and3A_357 = arith.andi %convert_element_type3A_346, %and3A_356 : vector<16xi32>
      %add3A_358 = arith.addi %add3A_354, %and3A_357 : vector<16xi32>
      %mul3A_359 = arith.constant 128 : i32
      %mul3A_360 = arith.muli %scan3A_92, %mul3A_359 : i32
      %mul3A_361 = arith.constant 16 : i32
      %mul3A_362 = arith.muli %scan3A_339, %mul3A_361 : i32
      %add3A_363 = arith.addi %mul3A_360, %mul3A_362 : i32
      %swap3A_364 = arith.index_cast %add3A_363 : i32 to index
      %swap3A_365 = tpu.vector_load %arg8[%swap3A_364] {strides = array<i32>} : memref<3328xi32, #tpu.memory_space<vmem>>, vector<16xi32>,
      %swap3A_366 = vector.shape_cast %swap3A_365 : vector<16xi32> to vector<16xi32>
      %swap3A_367 = vector.shape_cast %add3A_358 : vector<16xi32> to vector<16xi32>
      tpu.vector_store %arg8[%swap3A_364], %swap3A_367 {strides = array<i32>} : memref<3328xi32, #tpu.memory_space<vmem>>, vector<16xi32>,
      %scan3A_368 = arith.constant 0 : i32
      %scan3A_369 = arith.constant 8 : i32
      %scan3A_370 = arith.constant 0 : i32
      scf.yield %scan3A_370 : i32
    }
    %scan3A_46 = arith.constant 6 : i32
    %dma_start3A_47 = arith.constant 2560 : i32
    %dma_start3A_48 = tpu.memref_slice %arg9[%dma_start3A_47] : memref<3328xf32, #tpu.memory_space<vmem>> -> memref<768xf32, #tpu.memory_space<vmem>>
    %dma_start3A_49 = arith.constant 2560 : i32
    %dma_start3A_50 = tpu.memref_slice %arg8[%dma_start3A_49] : memref<3328xi32, #tpu.memory_space<vmem>> -> memref<768xi32, #tpu.memory_space<vmem>>
    %dma_start3A_51 = arith.constant 0 : i32
    %dma_start3A_52 = tpu.memref_slice %arg3[%dma_start3A_51] : memref<3203072xf32, #tpu.memory_space<hbm>> -> memref<3203072xf32, #tpu.memory_space<hbm>>
    tpu.enqueue_indirect_dma source(%dma_start3A_52 : memref<3203072xf32, #tpu.memory_space<hbm>>) target(%dma_start3A_48 : memref<768xf32, #tpu.memory_space<vmem>>) offsets(%dma_start3A_50 : memref<768xi32, #tpu.memory_space<vmem>>) semaphore(%arg11 : memref<!tpu.dma_semaphore, #tpu.memory_space<semaphore_mem>>)
    %get3A = arith.constant 0 : index
    %get3A_53 = tpu.vector_load %arg7[%get3A] {strides = array<i32>} : memref<16xf32, #tpu.memory_space<vmem>>, vector<16xf32>,
    %get3A_54 = vector.shape_cast %get3A_53 : vector<16xf32> to vector<16xf32>
    %scan3A_55 = arith.constant 0 : i32
    %scan3A_56 = arith.constant 0 : i32
    %scan3A_57 = arith.constant 8 : i32
    %scan3A_58 = arith.addi %scan3A_56, %scan3A_57 : i32
    %scan3A_59 = arith.constant 1 : i32
    %scan3A_60 = scf.for %scan3A_92 = %scan3A_56 to %scan3A_58 step %scan3A_59 iter_args(%scan3A_93 = %scan3A_55) -> (i32)  : i32 {
      %mul3A_94 = arith.constant 16 : i32
      %mul3A_95 = arith.muli %scan3A_92, %mul3A_94 : i32
      %get3A_96 = arith.constant 0 : i32
      %get3A_97 = arith.index_cast %get3A_96 : i32 to index
      %get3A_98 = arith.index_cast %mul3A_95 : i32 to index
      %get3A_99 = tpu.vector_load %arg6[%get3A_97, %get3A_98] {strides = array<i32>} : memref<39x128xf32, #tpu.memory_space<vmem>>, vector<1x16xf32>,
      %get3A_100 = vector.shape_cast %get3A_99 : vector<1x16xf32> to vector<16xf32>
      %slice3A = vector.extract_strided_slice %get3A_54 {offsets = [0], sizes = [1], strides = [1]} : vector<16xf32> to vector<1xf32>
      %squeeze3A = vector.extract %slice3A[0] : f32 from vector<1xf32>
      %mul3A_101 = vector.broadcast %squeeze3A : f32 to vector<16xf32>
      %mul3A_102 = arith.mulf %get3A_100, %mul3A_101 : vector<16xf32>
      %get3A_103 = arith.constant 1 : i32
      %get3A_104 = arith.index_cast %get3A_103 : i32 to index
      %get3A_105 = arith.index_cast %mul3A_95 : i32 to index
      %get3A_106 = tpu.vector_load %arg6[%get3A_104, %get3A_105] {strides = array<i32>} : memref<39x128xf32, #tpu.memory_space<vmem>>, vector<1x16xf32>,
      %get3A_107 = vector.shape_cast %get3A_106 : vector<1x16xf32> to vector<16xf32>
      %slice3A_108 = vector.extract_strided_slice %get3A_54 {offsets = [1], sizes = [1], strides = [1]} : vector<16xf32> to vector<1xf32>
      %squeeze3A_109 = vector.extract %slice3A_108[0] : f32 from vector<1xf32>
      %mul3A_110 = vector.broadcast %squeeze3A_109 : f32 to vector<16xf32>
      %mul3A_111 = arith.mulf %get3A_107, %mul3A_110 : vector<16xf32>
      %add3A_112 = arith.addf %mul3A_102, %mul3A_111 : vector<16xf32>
      %get3A_113 = arith.constant 2 : i32
      %get3A_114 = arith.index_cast %get3A_113 : i32 to index
      %get3A_115 = arith.index_cast %mul3A_95 : i32 to index
      %get3A_116 = tpu.vector_load %arg6[%get3A_114, %get3A_115] {strides = array<i32>} : memref<39x128xf32, #tpu.memory_space<vmem>>, vector<1x16xf32>,
      %get3A_117 = vector.shape_cast %get3A_116 : vector<1x16xf32> to vector<16xf32>
      %slice3A_118 = vector.extract_strided_slice %get3A_54 {offsets = [2], sizes = [1], strides = [1]} : vector<16xf32> to vector<1xf32>
      %squeeze3A_119 = vector.extract %slice3A_118[0] : f32 from vector<1xf32>
      %mul3A_120 = vector.broadcast %squeeze3A_119 : f32 to vector<16xf32>
      %mul3A_121 = arith.mulf %get3A_117, %mul3A_120 : vector<16xf32>
      %add3A_122 = arith.addf %add3A_112, %mul3A_121 : vector<16xf32>
      %get3A_123 = arith.constant 3 : i32
      %get3A_124 = arith.index_cast %get3A_123 : i32 to index
      %get3A_125 = arith.index_cast %mul3A_95 : i32 to index
      %get3A_126 = tpu.vector_load %arg6[%get3A_124, %get3A_125] {strides = array<i32>} : memref<39x128xf32, #tpu.memory_space<vmem>>, vector<1x16xf32>,
      %get3A_127 = vector.shape_cast %get3A_126 : vector<1x16xf32> to vector<16xf32>
      %slice3A_128 = vector.extract_strided_slice %get3A_54 {offsets = [3], sizes = [1], strides = [1]} : vector<16xf32> to vector<1xf32>
      %squeeze3A_129 = vector.extract %slice3A_128[0] : f32 from vector<1xf32>
      %mul3A_130 = vector.broadcast %squeeze3A_129 : f32 to vector<16xf32>
      %mul3A_131 = arith.mulf %get3A_127, %mul3A_130 : vector<16xf32>
      %add3A_132 = arith.addf %add3A_122, %mul3A_131 : vector<16xf32>
      %get3A_133 = arith.constant 4 : i32
      %get3A_134 = arith.index_cast %get3A_133 : i32 to index
      %get3A_135 = arith.index_cast %mul3A_95 : i32 to index
      %get3A_136 = tpu.vector_load %arg6[%get3A_134, %get3A_135] {strides = array<i32>} : memref<39x128xf32, #tpu.memory_space<vmem>>, vector<1x16xf32>,
      %get3A_137 = vector.shape_cast %get3A_136 : vector<1x16xf32> to vector<16xf32>
      %slice3A_138 = vector.extract_strided_slice %get3A_54 {offsets = [4], sizes = [1], strides = [1]} : vector<16xf32> to vector<1xf32>
      %squeeze3A_139 = vector.extract %slice3A_138[0] : f32 from vector<1xf32>
      %mul3A_140 = vector.broadcast %squeeze3A_139 : f32 to vector<16xf32>
      %mul3A_141 = arith.mulf %get3A_137, %mul3A_140 : vector<16xf32>
      %add3A_142 = arith.addf %add3A_132, %mul3A_141 : vector<16xf32>
      %get3A_143 = arith.constant 5 : i32
      %get3A_144 = arith.index_cast %get3A_143 : i32 to index
      %get3A_145 = arith.index_cast %mul3A_95 : i32 to index
      %get3A_146 = tpu.vector_load %arg6[%get3A_144, %get3A_145] {strides = array<i32>} : memref<39x128xf32, #tpu.memory_space<vmem>>, vector<1x16xf32>,
      %get3A_147 = vector.shape_cast %get3A_146 : vector<1x16xf32> to vector<16xf32>
      %slice3A_148 = vector.extract_strided_slice %get3A_54 {offsets = [5], sizes = [1], strides = [1]} : vector<16xf32> to vector<1xf32>
      %squeeze3A_149 = vector.extract %slice3A_148[0] : f32 from vector<1xf32>
      %mul3A_150 = vector.broadcast %squeeze3A_149 : f32 to vector<16xf32>
      %mul3A_151 = arith.mulf %get3A_147, %mul3A_150 : vector<16xf32>
      %add3A_152 = arith.addf %add3A_142, %mul3A_151 : vector<16xf32>
      %get3A_153 = arith.constant 6 : i32
      %get3A_154 = arith.index_cast %get3A_153 : i32 to index
      %get3A_155 = arith.index_cast %mul3A_95 : i32 to index
      %get3A_156 = tpu.vector_load %arg6[%get3A_154, %get3A_155] {strides = array<i32>} : memref<39x128xf32, #tpu.memory_space<vmem>>, vector<1x16xf32>,
      %get3A_157 = vector.shape_cast %get3A_156 : vector<1x16xf32> to vector<16xf32>
      %slice3A_158 = vector.extract_strided_slice %get3A_54 {offsets = [6], sizes = [1], strides = [1]} : vector<16xf32> to vector<1xf32>
      %squeeze3A_159 = vector.extract %slice3A_158[0] : f32 from vector<1xf32>
      %mul3A_160 = vector.broadcast %squeeze3A_159 : f32 to vector<16xf32>
      %mul3A_161 = arith.mulf %get3A_157, %mul3A_160 : vector<16xf32>
      %add3A_162 = arith.addf %add3A_152, %mul3A_161 : vector<16xf32>
      %get3A_163 = arith.constant 7 : i32
      %get3A_164 = arith.index_cast %get3A_163 : i32 to index
      %get3A_165 = arith.index_cast %mul3A_95 : i32 to index
      %get3A_166 = tpu.vector_load %arg6[%get3A_164, %get3A_165] {strides = array<i32>} : memref<39x128xf32, #tpu.memory_space<vmem>>, vector<1x16xf32>,
      %get3A_167 = vector.shape_cast %get3A_166 : vector<1x16xf32> to vector<16xf32>
      %slice3A_168 = vector.extract_strided_slice %get3A_54 {offsets = [7], sizes = [1], strides = [1]} : vector<16xf32> to vector<1xf32>
      %squeeze3A_169 = vector.extract %slice3A_168[0] : f32 from vector<1xf32>
      %mul3A_170 = vector.broadcast %squeeze3A_169 : f32 to vector<16xf32>
      %mul3A_171 = arith.mulf %get3A_167, %mul3A_170 : vector<16xf32>
      %add3A_172 = arith.addf %add3A_162, %mul3A_171 : vector<16xf32>
      %get3A_173 = arith.constant 8 : i32
      %get3A_174 = arith.index_cast %get3A_173 : i32 to index
      %get3A_175 = arith.index_cast %mul3A_95 : i32 to index
      %get3A_176 = tpu.vector_load %arg6[%get3A_174, %get3A_175] {strides = array<i32>} : memref<39x128xf32, #tpu.memory_space<vmem>>, vector<1x16xf32>,
      %get3A_177 = vector.shape_cast %get3A_176 : vector<1x16xf32> to vector<16xf32>
      %slice3A_178 = vector.extract_strided_slice %get3A_54 {offsets = [8], sizes = [1], strides = [1]} : vector<16xf32> to vector<1xf32>
      %squeeze3A_179 = vector.extract %slice3A_178[0] : f32 from vector<1xf32>
      %mul3A_180 = vector.broadcast %squeeze3A_179 : f32 to vector<16xf32>
      %mul3A_181 = arith.mulf %get3A_177, %mul3A_180 : vector<16xf32>
      %add3A_182 = arith.addf %add3A_172, %mul3A_181 : vector<16xf32>
      %get3A_183 = arith.constant 9 : i32
      %get3A_184 = arith.index_cast %get3A_183 : i32 to index
      %get3A_185 = arith.index_cast %mul3A_95 : i32 to index
      %get3A_186 = tpu.vector_load %arg6[%get3A_184, %get3A_185] {strides = array<i32>} : memref<39x128xf32, #tpu.memory_space<vmem>>, vector<1x16xf32>,
      %get3A_187 = vector.shape_cast %get3A_186 : vector<1x16xf32> to vector<16xf32>
      %slice3A_188 = vector.extract_strided_slice %get3A_54 {offsets = [9], sizes = [1], strides = [1]} : vector<16xf32> to vector<1xf32>
      %squeeze3A_189 = vector.extract %slice3A_188[0] : f32 from vector<1xf32>
      %mul3A_190 = vector.broadcast %squeeze3A_189 : f32 to vector<16xf32>
      %mul3A_191 = arith.mulf %get3A_187, %mul3A_190 : vector<16xf32>
      %add3A_192 = arith.addf %add3A_182, %mul3A_191 : vector<16xf32>
      %get3A_193 = arith.constant 10 : i32
      %get3A_194 = arith.index_cast %get3A_193 : i32 to index
      %get3A_195 = arith.index_cast %mul3A_95 : i32 to index
      %get3A_196 = tpu.vector_load %arg6[%get3A_194, %get3A_195] {strides = array<i32>} : memref<39x128xf32, #tpu.memory_space<vmem>>, vector<1x16xf32>,
      %get3A_197 = vector.shape_cast %get3A_196 : vector<1x16xf32> to vector<16xf32>
      %slice3A_198 = vector.extract_strided_slice %get3A_54 {offsets = [10], sizes = [1], strides = [1]} : vector<16xf32> to vector<1xf32>
      %squeeze3A_199 = vector.extract %slice3A_198[0] : f32 from vector<1xf32>
      %mul3A_200 = vector.broadcast %squeeze3A_199 : f32 to vector<16xf32>
      %mul3A_201 = arith.mulf %get3A_197, %mul3A_200 : vector<16xf32>
      %add3A_202 = arith.addf %add3A_192, %mul3A_201 : vector<16xf32>
      %get3A_203 = arith.constant 11 : i32
      %get3A_204 = arith.index_cast %get3A_203 : i32 to index
      %get3A_205 = arith.index_cast %mul3A_95 : i32 to index
      %get3A_206 = tpu.vector_load %arg6[%get3A_204, %get3A_205] {strides = array<i32>} : memref<39x128xf32, #tpu.memory_space<vmem>>, vector<1x16xf32>,
      %get3A_207 = vector.shape_cast %get3A_206 : vector<1x16xf32> to vector<16xf32>
      %slice3A_208 = vector.extract_strided_slice %get3A_54 {offsets = [11], sizes = [1], strides = [1]} : vector<16xf32> to vector<1xf32>
      %squeeze3A_209 = vector.extract %slice3A_208[0] : f32 from vector<1xf32>
      %mul3A_210 = vector.broadcast %squeeze3A_209 : f32 to vector<16xf32>
      %mul3A_211 = arith.mulf %get3A_207, %mul3A_210 : vector<16xf32>
      %add3A_212 = arith.addf %add3A_202, %mul3A_211 : vector<16xf32>
      %get3A_213 = arith.constant 12 : i32
      %get3A_214 = arith.index_cast %get3A_213 : i32 to index
      %get3A_215 = arith.index_cast %mul3A_95 : i32 to index
      %get3A_216 = tpu.vector_load %arg6[%get3A_214, %get3A_215] {strides = array<i32>} : memref<39x128xf32, #tpu.memory_space<vmem>>, vector<1x16xf32>,
      %get3A_217 = vector.shape_cast %get3A_216 : vector<1x16xf32> to vector<16xf32>
      %slice3A_218 = vector.extract_strided_slice %get3A_54 {offsets = [12], sizes = [1], strides = [1]} : vector<16xf32> to vector<1xf32>
      %squeeze3A_219 = vector.extract %slice3A_218[0] : f32 from vector<1xf32>
      %mul3A_220 = vector.broadcast %squeeze3A_219 : f32 to vector<16xf32>
      %mul3A_221 = arith.mulf %get3A_217, %mul3A_220 : vector<16xf32>
      %add3A_222 = arith.addf %add3A_212, %mul3A_221 : vector<16xf32>
      %swap3A = arith.index_cast %mul3A_95 : i32 to index
      %swap3A_223 = tpu.vector_load %arg10[%swap3A] {strides = array<i32>} : memref<128xf32, #tpu.memory_space<vmem>>, vector<16xf32>,
      %swap3A_224 = vector.shape_cast %swap3A_223 : vector<16xf32> to vector<16xf32>
      %swap3A_225 = vector.shape_cast %add3A_222 : vector<16xf32> to vector<16xf32>
      tpu.vector_store %arg10[%swap3A], %swap3A_225 {strides = array<i32>} : memref<128xf32, #tpu.memory_space<vmem>>, vector<16xf32>,
      %scan3A_226 = arith.constant 0 : i32
      scf.yield %scan3A_226 : i32
    }
    %scan3A_61 = arith.constant 8 : i32
    %dma_wait3A = arith.constant 0 : i32
    %dma_wait3A_62 = tpu.memref_slice %arg9[%dma_wait3A] : memref<3328xf32, #tpu.memory_space<vmem>> -> memref<768xf32, #tpu.memory_space<vmem>>
    %dma_wait3A_63 = arith.constant 0 : i32
    %dma_wait3A_64 = tpu.memref_slice %arg8[%dma_wait3A_63] : memref<3328xi32, #tpu.memory_space<vmem>> -> memref<768xi32, #tpu.memory_space<vmem>>
    %dma_wait3A_65 = arith.constant 0 : i32
    %dma_wait3A_66 = tpu.memref_slice %arg3[%dma_wait3A_65] : memref<3203072xf32, #tpu.memory_space<hbm>> -> memref<3203072xf32, #tpu.memory_space<hbm>>
    tpu.wait_indirect_dma semaphore(%arg11 : memref<!tpu.dma_semaphore, #tpu.memory_space<semaphore_mem>>) src(%dma_wait3A_66 : memref<3203072xf32, #tpu.memory_space<hbm>>) dst(%dma_wait3A_62 : memref<768xf32, #tpu.memory_space<vmem>>)
    %dma_wait3A_67 = arith.constant 768 : i32
    %dma_wait3A_68 = tpu.memref_slice %arg9[%dma_wait3A_67] : memref<3328xf32, #tpu.memory_space<vmem>> -> memref<896xf32, #tpu.memory_space<vmem>>
    %dma_wait3A_69 = arith.constant 768 : i32
    %dma_wait3A_70 = tpu.memref_slice %arg8[%dma_wait3A_69] : memref<3328xi32, #tpu.memory_space<vmem>> -> memref<896xi32, #tpu.memory_space<vmem>>
    %dma_wait3A_71 = arith.constant 0 : i32
    %dma_wait3A_72 = tpu.memref_slice %arg3[%dma_wait3A_71] : memref<3203072xf32, #tpu.memory_space<hbm>> -> memref<3203072xf32, #tpu.memory_space<hbm>>
    tpu.wait_indirect_dma semaphore(%arg11 : memref<!tpu.dma_semaphore, #tpu.memory_space<semaphore_mem>>) src(%dma_wait3A_72 : memref<3203072xf32, #tpu.memory_space<hbm>>) dst(%dma_wait3A_68 : memref<896xf32, #tpu.memory_space<vmem>>)
    %dma_wait3A_73 = arith.constant 1664 : i32
    %dma_wait3A_74 = tpu.memref_slice %arg9[%dma_wait3A_73] : memref<3328xf32, #tpu.memory_space<vmem>> -> memref<896xf32, #tpu.memory_space<vmem>>
    %dma_wait3A_75 = arith.constant 1664 : i32
    %dma_wait3A_76 = tpu.memref_slice %arg8[%dma_wait3A_75] : memref<3328xi32, #tpu.memory_space<vmem>> -> memref<896xi32, #tpu.memory_space<vmem>>
    %dma_wait3A_77 = arith.constant 0 : i32
    %dma_wait3A_78 = tpu.memref_slice %arg3[%dma_wait3A_77] : memref<3203072xf32, #tpu.memory_space<hbm>> -> memref<3203072xf32, #tpu.memory_space<hbm>>
    tpu.wait_indirect_dma semaphore(%arg11 : memref<!tpu.dma_semaphore, #tpu.memory_space<semaphore_mem>>) src(%dma_wait3A_78 : memref<3203072xf32, #tpu.memory_space<hbm>>) dst(%dma_wait3A_74 : memref<896xf32, #tpu.memory_space<vmem>>)
    %dma_wait3A_79 = arith.constant 2560 : i32
    %dma_wait3A_80 = tpu.memref_slice %arg9[%dma_wait3A_79] : memref<3328xf32, #tpu.memory_space<vmem>> -> memref<768xf32, #tpu.memory_space<vmem>>
    %dma_wait3A_81 = arith.constant 2560 : i32
    %dma_wait3A_82 = tpu.memref_slice %arg8[%dma_wait3A_81] : memref<3328xi32, #tpu.memory_space<vmem>> -> memref<768xi32, #tpu.memory_space<vmem>>
    %dma_wait3A_83 = arith.constant 0 : i32
    %dma_wait3A_84 = tpu.memref_slice %arg3[%dma_wait3A_83] : memref<3203072xf32, #tpu.memory_space<hbm>> -> memref<3203072xf32, #tpu.memory_space<hbm>>
    tpu.wait_indirect_dma semaphore(%arg11 : memref<!tpu.dma_semaphore, #tpu.memory_space<semaphore_mem>>) src(%dma_wait3A_84 : memref<3203072xf32, #tpu.memory_space<hbm>>) dst(%dma_wait3A_80 : memref<768xf32, #tpu.memory_space<vmem>>)
    %scan3A_85 = arith.constant 0 : i32
    %scan3A_86 = arith.constant 0 : i32
    %scan3A_87 = arith.constant 8 : i32
    %scan3A_88 = arith.addi %scan3A_86, %scan3A_87 : i32
    %scan3A_89 = arith.constant 1 : i32
    %scan3A_90 = scf.for %scan3A_92 = %scan3A_86 to %scan3A_88 step %scan3A_89 iter_args(%scan3A_93 = %scan3A_85) -> (i32)  : i32 {
      %mul3A_94 = arith.constant 16 : i32
      %mul3A_95 = arith.muli %scan3A_92, %mul3A_94 : i32
      %get3A_96 = arith.index_cast %mul3A_95 : i32 to index
      %get3A_97 = tpu.vector_load %arg10[%get3A_96] {strides = array<i32>} : memref<128xf32, #tpu.memory_space<vmem>>, vector<16xf32>,
      %get3A_98 = vector.shape_cast %get3A_97 : vector<16xf32> to vector<16xf32>
      %scan3A_99 = arith.constant 0 : i32
      %scan3A_100 = arith.constant 26 : i32
      %scan3A_101 = arith.addi %scan3A_99, %scan3A_100 : i32
      %scan3A_102 = arith.constant 1 : i32
      %scan3A_103 = scf.for %scan3A_109 = %scan3A_99 to %scan3A_101 step %scan3A_102 iter_args(%scan3A_110 = %get3A_98) -> (vector<16xf32>)  : i32 {
        %mul3A_111 = arith.constant 128 : i32
        %mul3A_112 = arith.muli %scan3A_109, %mul3A_111 : i32
        %mul3A_113 = arith.constant 16 : i32
        %mul3A_114 = arith.muli %scan3A_92, %mul3A_113 : i32
        %add3A_115 = arith.addi %mul3A_112, %mul3A_114 : i32
        %get3A_116 = arith.index_cast %add3A_115 : i32 to index
        %get3A_117 = tpu.vector_load %arg9[%get3A_116] {strides = array<i32>} : memref<3328xf32, #tpu.memory_space<vmem>>, vector<16xf32>,
        %get3A_118 = vector.shape_cast %get3A_117 : vector<16xf32> to vector<16xf32>
        %add3A_119 = arith.addf %scan3A_110, %get3A_118 : vector<16xf32>
        scf.yield %add3A_119 : vector<16xf32>
      }
      %scan3A_104 = arith.constant 26 : i32
      %swap3A = arith.index_cast %mul3A_95 : i32 to index
      %swap3A_105 = tpu.vector_load %arg10[%swap3A] {strides = array<i32>} : memref<128xf32, #tpu.memory_space<vmem>>, vector<16xf32>,
      %swap3A_106 = vector.shape_cast %swap3A_105 : vector<16xf32> to vector<16xf32>
      %swap3A_107 = vector.shape_cast %scan3A_103 : vector<16xf32> to vector<16xf32>
      tpu.vector_store %arg10[%swap3A], %swap3A_107 {strides = array<i32>} : memref<128xf32, #tpu.memory_space<vmem>>, vector<16xf32>,
      %scan3A_108 = arith.constant 0 : i32
      scf.yield %scan3A_108 : i32
    }
    %scan3A_91 = arith.constant 8 : i32
    "tpu.region"() ({
      %run_scoped3A = tpu.sem_alloc : memref<!tpu.dma_semaphore, #tpu.memory_space<semaphore_mem>>
      %dma_start3A_92 = tpu.memref_slice %arg5[%mul3A_2] : memref<4096xf32, #tpu.memory_space<hbm>> -> memref<128xf32, #tpu.memory_space<hbm>>
      %dma_start3A_93 = tpu.memref_slice %arg5[%mul3A_2] : memref<4096xf32, #tpu.memory_space<hbm>> -> memref<128xf32, #tpu.memory_space<hbm>>
      tpu.enqueue_dma source(%arg10 : memref<128xf32, #tpu.memory_space<vmem>>) target(%dma_start3A_93 : memref<128xf32, #tpu.memory_space<hbm>>) target_semaphore(%run_scoped3A : memref<!tpu.dma_semaphore, #tpu.memory_space<semaphore_mem>>)
      %dma_wait3A_94 = tpu.memref_slice %arg5[%mul3A_2] : memref<4096xf32, #tpu.memory_space<hbm>> -> memref<128xf32, #tpu.memory_space<hbm>>
      %dma_wait3A_95 = tpu.memref_slice %arg5[%mul3A_2] : memref<4096xf32, #tpu.memory_space<hbm>> -> memref<128xf32, #tpu.memory_space<hbm>>
      tpu.wait_dma2 semaphore(%run_scoped3A : memref<!tpu.dma_semaphore, #tpu.memory_space<semaphore_mem>>) src(%arg10 : memref<128xf32, #tpu.memory_space<vmem>>) dst(%dma_wait3A_95 : memref<128xf32, #tpu.memory_space<hbm>>)
      tpu.yield
    }) : () -> ()
    return
  }
}

</mosaic_0001>

<sc_bundles>
// kernel: kernel.3.cloned.1.call-start
scs
__scs_entry_jumppad:
0x0: {  	(pc) =	sbr.rel $0x88, $3  }
0x1: {  	(tag) =	ssettag $0x0;
	lr =	simm.s32 $0x1  }
0x2: {  	[smem:$0x3F9E] =	sst lr;
	_ =	strace $0xD0000000  }
0x3: {  	_ = 	snop  }
0x4: {  	_ = 	snop  }
0x5: {  	_ = 	snop  }
0x6: {  	_ = 	snop  }
0x7: {  	_ = 	snop  }
__scs_overlays_trampoline_lowered:
0x8: {  	[smem:$0x3FAD] =	sst s0  }
0x9: {  	[smem:$0x3FAE] =	sst s1  }
0xa: {  	[smem:$0x3FAF] =	sst s2  }
0xb: {  	[smem:$0x3FB0] =	sst s3  }
0xc: {  	[smem:$0x3FB1] =	sst s4  }
0xd: {  	[smem:$0x3FB2] =	sst s5  }
0xe: {  	[smem:$0x3FB3] =	sst s6  }
0xf: {  	[smem:$0x3FB4] =	sst s7  }
0x10: {  	[smem:$0x3FB5] =	sst s8  }
0x11: {  	[smem:$0x3FB6] =	sst s9;
	s0 =	simm.s32 @!p0 $0x0  }
0x12: {  	s1 =	sld [smem:$0x3F9C];
	s0 =	simm.s32 @p0 $0x1  }
0x13: {  	[smem:$0x3FB7] =	sst s0;
	s0 =	simm.s32 @!p1 $0x0  }
0x14: {  	s2 =	sld [smem:$0x3F9B];
	s0 =	simm.s32 @p1 $0x1  }
0x15: {  	[smem:$0x3FB8] =	sst s0;
	s0 =	simm.s32 @!p2 $0x0  }
0x16: {  	s3 =	sld [smem:$0x3FDB];
	s0 =	simm.s32 @p2 $0x1  }
0x17: {  	s4 =	simm.s32 $0x1BF5;
	[smem:$0x3FBA] =	sst s0  }
0x18: {  	s0 =	sld [smem:$0x3F9D];
	_ =	swait.ge [sflag:s4], $0x0  }
0x19: {  	s7 =	sld [smem:$0x3F9E]  }
0x1a: {  	s8 =	sadd.s32 $0xFFFFE003, lr  }
0x1b: {  	s9 =	sadd.s32 $0xFFFFFEF7, lr;
	s5 =	simm.s32 $0xFFFFFFFF;
	p2 =	slt.u32 s8, $0xFFFFF086  }
0x1c: {  	p1 =	slt.u32 s9, $0xF7A;
	s5 =	simm.s32 @!p2 $0x0  }
0x1d: {  	s5 =	simm.s32 @p1 $0x1;
	p0 =	seq.s32 s7, s2  }
0x1e: {  	s7 =	smul.u32 @!p0 $0xF7A, s2;
	p2 =	seq.s32 @!p0 s5, $0x0  }
0x1f: {  	s9 =	smul.u32 $0xF7A, s1;
	s8 =	simm.s32 @!p0 $0x1BF5;
	p2 =	por !p2, p0  }
0x20: {  	[sflag:s8] =	ssyncset.s32 @!p0 $0xFFFFF086;
	s6 =	sadd.s32 @!p0 s3, s7;
	s7 =	simm.s32 @!p0 $0x108  }
0x21: {  	s3 =	sadd.s32 s3, s9;
	s6 =	sadd.s32 @!p0 $0x88, s6;
	s7 =	simm.s32 @p2 $0x1082  }
0x22: {  	[simem:s7], [sflag:s8] =	dma.local @!p0 [hbm:s6], $0xF7A  }
0x23: {  	s9 =	sor.u32 $0xD0000000, s2;
	s6 =	simm.s32 $0x108;
	_ =	swait.ge @!p0 [sflag:s8], $0x0  }
0x24: {  	s3 =	sadd.s32 $0x88, s3;
	s6 =	simm.s32 @!p1 $0x1082;
	[sflag:s4] =	ssyncset.s32 $0xFFFFF086  }
0x25: {  	[simem:s6], [sflag:s4] =	dma.local [hbm:s3], $0xF7A  }
0x26: {  	[smem:$0x3F9E] =	sst s1;
	(tag) =	ssettag s2;
	_ =	strace s9  }
0x27: {  	s1 =	sld [smem:$0x3FAE]  }
0x28: {  	s2 =	sld [smem:$0x3FAF]  }
0x29: {  	s4 =	sld [smem:$0x3FB1]  }
0x2a: {  	p0 =	seq.s32 s5, $0x0;
	s5 =	sld [smem:$0x3FB2]  }
0x2b: {  	s6 =	sld [smem:$0x3FB3]  }
0x2c: {  	s7 =	sld [smem:$0x3FB4]  }
0x2d: {  	s3 =	simm.s32 $0x108;
	s8 =	sld [smem:$0x3FB5]  }
0x2e: {  	s3 =	simm.s32 @!p0 $0x1082;
	s9 =	sld [smem:$0x3FB6]  }
0x2f: {  	lr =	sadd.s32 s0, s3;
	s0 =	sld [smem:$0x3FAD]  }
0x30: {  	s3 =	sld [smem:$0x3FB0]  }
0x31: {  	[smem:$0x3FB9] =	sst s10  }
0x32: {  	s10 =	sld [smem:$0x3FB7];
	_ =	sdelay $0x3  }
0x33: {  	p0 =	seq.s32 s10, $0x1;
	s10 =	sld [smem:$0x3FB9];
	_ =	sdelay $0x3  }
0x34: {  	[smem:$0x3FB9] =	sst s10  }
0x35: {  	s10 =	sld [smem:$0x3FB8];
	_ =	sdelay $0x3  }
0x36: {  	p1 =	seq.s32 s10, $0x1;
	s10 =	sld [smem:$0x3FB9];
	_ =	sdelay $0x3  }
0x37: {  	[smem:$0x3FB9] =	sst s10  }
0x38: {  	s10 =	sld [smem:$0x3FBA]  }
0x39: {  	_ = 	snop;
	(pc) =	sbr.ind lr, $3  }
0x3a: {  	_ = 	snop  }
0x3b: {  	_ = 	snop  }
0x3c: {  	p2 =	seq.s32 s10, $0x1;
	s10 =	sld [smem:$0x3FB9]  }
0x3d: {  	_ =	shalt  }
0x3e: {  	_ =	shalt  }
0x3f: {  	_ =	shalt  }
0x40: {  	_ =	shalt  }
0x41: {  	_ =	shalt  }
0x42: {  	_ =	shalt  }
0x43: {  	_ =	shalt  }
0x44: {  	_ =	shalt  }
0x45: {  	_ =	shalt  }
0x46: {  	_ =	shalt  }
0x47: {  	_ =	shalt  }
0x48: {  	_ =	shalt  }
0x49: {  	_ =	shalt  }
0x4a: {  	_ =	shalt  }
0x4b: {  	_ =	shalt  }
0x4c: {  	_ =	shalt  }
0x4d: {  	_ =	shalt  }
0x4e: {  	_ =	shalt  }
0x4f: {  	_ =	shalt  }
0x50: {  	_ =	shalt  }
0x51: {  	_ =	shalt  }
0x52: {  	_ =	shalt  }
0x53: {  	_ =	shalt  }
0x54: {  	_ =	shalt  }
0x55: {  	_ =	shalt  }
0x56: {  	_ =	shalt  }
0x57: {  	_ =	shalt  }
0x58: {  	_ =	shalt  }
0x59: {  	_ =	shalt  }
0x5a: {  	_ =	shalt  }
0x5b: {  	_ =	shalt  }
0x5c: {  	_ =	shalt  }
0x5d: {  	_ =	shalt  }
0x5e: {  	_ =	shalt  }
0x5f: {  	_ =	shalt  }
0x60: {  	_ =	shalt  }
0x61: {  	_ =	shalt  }
0x62: {  	_ =	shalt  }
0x63: {  	_ =	shalt  }
0x64: {  	_ =	shalt  }
0x65: {  	_ =	shalt  }
0x66: {  	_ =	shalt  }
0x67: {  	_ =	shalt  }
0x68: {  	_ =	shalt  }
0x69: {  	_ =	shalt  }
0x6a: {  	_ =	shalt  }
0x6b: {  	_ =	shalt  }
0x6c: {  	_ =	shalt  }
0x6d: {  	_ =	shalt  }
0x6e: {  	_ =	shalt  }
0x6f: {  	_ =	shalt  }
0x70: {  	_ =	shalt  }
0x71: {  	_ =	shalt  }
0x72: {  	_ =	shalt  }
0x73: {  	_ =	shalt  }
0x74: {  	_ =	shalt  }
0x75: {  	_ =	shalt  }
0x76: {  	_ =	shalt  }
0x77: {  	_ =	shalt  }
0x78: {  	_ =	shalt  }
0x79: {  	_ =	shalt  }
0x7a: {  	_ =	shalt  }
0x7b: {  	_ =	shalt  }
0x7c: {  	_ =	shalt  }
0x7d: {  	_ =	shalt  }
0x7e: {  	_ =	shalt  }
0x7f: {  	_ =	shalt  }
0x80: {  	_ =	shalt  }
0x81: {  	_ =	shalt  }
0x82: {  	_ =	shalt  }
0x83: {  	_ =	shalt  }
0x84: {  	_ =	shalt  }
0x85: {  	_ =	shalt  }
0x86: {  	_ =	shalt  }
0x87: {  	_ =	shalt  }
.Lfunc_end0:
.L_simem_size_0:
called_computation_lowered:
.L_overlay_start_0:
0x88: {  	s2 =	sld [smem:$0x3FD9]  }
0x89: {  	s3 =	sld [smem:$0x3FFE];
	_ =	sdelay $0x1  }
0x8a: {  	s1 =	srdreg.scid  }
0x8b: {  	s0 =	sand.u32 $0x1, s1  }
0x8c: {  	s17 =	sshll.u32 s0, $0xA;
	s2 =	sadd.s32 s3, s2  }
0x8d: {  	s2 =	sadd.s32 s2, s17  }
0x8e: {  	[smem:$0x3FC5] =	sst s2  }
0x8f: {  	_ = 	snop  }
0x90: {  	s2 =	sld [smem:$0x3FD0];
	(tm) =	ssettm $0x1  }
0x91: {  	s18 =	sld [smem:$0x3FFB];
	_ =	sdelay $0x3  }
0x92: {  	_ =	strace s18  }
0x93: {  	s3 =	sld [smem:$0x3FFC];
	_ =	sdelay $0x3  }
0x94: {  	_ =	strace s3  }
0x95: {  	s3 =	sld [smem:$0x3FFD];
	_ =	sdelay $0x3  }
0x96: {  	_ =	strace s3  }
0x97: {  	_ =	strace $0x8FFFFFFF  }
0x98: {  	s19 =	sld [smem:$0x3FDB];
	_ =	sdelay $0x1  }
0x99: {  	s4 =	simm.s32 $_scs_section_size  }
0x9a: {  	s5 =	simm.s32 $_size__tile_overlayer_lowered;
	s6 =	simm.s32 $_tile_overlayer_lowered  }
0x9b: {  	s22 =	simm.s32 $0x1BFF;
	s21 =	sshll.u32 s6, $0x1;
	s3 =	sadd.s32 s4, s19  }
0x9c: {  	s7 =	simm.s32 $0x0;
	s20 =	sshll.u32 s5, $0x1;
	s5 =	sadd.s32 s21, s3  }
0x9d: {  	[timem:s7], [sflag:s22] =	dma.local [hbm:s5], s20  }
0x9e: {  	_ =	swait.ge [sflag:s22], s20  }
0x9f: {  	s4 =	ssub.s32 $0x0, s20;
	[sflag:s22] =	ssyncset.done $0x0  }
0xa0: {  	[sflag:s22] =	ssyncadd.s32 s4;
	_ =	sdelay $0x1  }
0xa1: {  	s23 =	simm.s32 $0x1B8B  }
0xa2: {  	_ =	swait.ge [sflag:s23], $0x1  }
0xa3: {  	[sflag:s23] =	ssyncset.done $0x0  }
0xa4: {  	s25 =	simm.s32 $0x1B8E;
	s24 =	sld [smem:$0x3FFE];
	[sflag:s23] =	ssyncadd.s32 $0xFFFFFFFF  }
0xa5: {  	s26 =	simm.s32 $execute0_lowered;
	[smem:$0x3FD2] =	sst s25  }
0xa6: {  	s5 =	sshll.u32 s26, $0x1;
	_ =	strace $0x80000046;
	[dreg:$0x1] =	wrdreg $0xFFFFFFFF  }
0xa7: {  	s28 =	simm.s32 $_size_execute0_lowered;
	s3 =	sadd.s32 s3, s5;
	[dreg:$0x0] =	wrdreg $0x0  }
0xa8: {  	s5 =	sshll.u32 s28, $0x1;
	[dreg:$0x2] =	wrdreg s3  }
0xa9: {  	[dreg:$0x3] =	wrdreg s5  }
0xaa: {  	[dreg:$0x4] =	wrdreg $0xC0  }
0xab: {  	_ =	task [dreg:s7], $0x5FFFF  }
0xac: {  	[dreg:$0x1] =	wrdreg $0xFFFFFFFF  }
0xad: {  	[dreg:$0x0] =	wrdreg $0x60  }
0xae: {  	[dreg:$0x2] =	wrdreg s24  }
0xaf: {  	[dreg:$0x3] =	wrdreg s2  }
0xb0: {  	[dreg:$0x4] =	wrdreg $0x9  }
0xb1: {  	_ =	task.clear_ibuf [dreg:s7], $0x5FFFF;
	_ =	strace $0x90000046  }
0xb2: {  	s29 =	simm.s32 $0x9;
	_ =	strace $0x80000048  }
0xb3: {  	_ =	swait.ge [sflag:s29], $0x1  }
0xb4: {  	[sflag:s29] =	ssyncadd.s32 $0xFFFFFFFF  }
0xb5: {  	_ =	strace $0x90000048  }
0xb6: {  	_ =	sfence  }
0xb7: {  	s30 =	sld [smem:$0x0];
	_ =	sdelay $0x2  }
0xb8: {  	s31 =	sshll.u32 s1, $0xD;
	s1 =	sshrl.u32 s1, $0x2  }
0xb9: {  	s3 =	sand.u32 $0x4000, s31;
	s1 =	sadd.s32 s1, s30  }
0xba: {  	s0 =	sor.u32 s3, s0;
	s1 =	sshll.u32 s1, $0x11  }
0xbb: {  	s0 =	sor.u32 s1, s0  }
0xbc: {  	s0 =	sadd.s32 $0x8F2B, s0  }
0xbd: {  	[sflag:s0] =	ssyncadd.remote.s32 $0x1  }
0xbe: {  	_ =	sfence.sel $0xFFFF  }
0xbf: {  	[dreg:$0x0] =	wrdreg $0xFFFFFFFF;
	(pc) =	sbr.abs _section_cstart, $3  }
0xc0: {  	[dreg:$0x1] =	wrdreg $0xFFFFFFFF  }
0xc1: {  	_ =	task.clear_ibuf [dreg:s7], $0x2FFFF;
	_ =	strace $0x9FFFFFFF  }
0xc2: {  	(tm) =	ssettm $0x7FFFFFFF  }
0xc3: {  	_ =	shalt  }
tec
execute0_lowered:
.L_overlay_start_1:
0x0: {  	(tag) =	ssettag $0x1  }
0x1: {  	s4 =	rddreg [dreg:$0x0];
	s1 =	srdreg.scid  }
0x2: {  	s0 =	stileid.u32;
	s6 =	rddreg [dreg:$0x1]  }
0x3: {  	s2 =	simm.s32 $0x0;
	s10 =	simm.s32 $0x1480;
	s11 =	simm.s32 $0x2180  }
0x4: {  	s12 =	simm.s32 $0x380;
	s13 =	simm.s32 $0x1780;
	s14 =	simm.s32 $0x2480  }
0x5: {  	s15 =	simm.s32 $0x1B00;
	s16 =	simm.s32 $0x2800;
	s17 =	simm.s32 $0x300  }
0x6: {  	s18 =	simm.s32 $0x1E80;
	s19 =	simm.s32 $0x2B80;
	s20 =	simm.s32 $0x1  }
0x7: {  	s21 =	simm.s32 $0x2E80;
	s3 =	sand.u32 $0x1, s1;
	s1 =	rddreg [dreg:$0x2]  }
0x8: {  	s22 =	simm.s32 $0x0;
	s5 =	sshll.u32 s0, $0x1;
	[smem:$0x7FF] =	sst s2  }
0x9: {  	s5 =	sor.u32 s3, s5;
	_ =	strace $0x80000047;
	s8 =	ssub.s32 $0x2, s3  }
0xa: {  	s7 =	smul.u32 $0x280, s5;
	s9 =	sshrl.u32 s8, $0x1;
	s31 =	sshll.u32 s5, $0x4  }
0xb: {  	s3 =	sadd.s32 $0x5800, s4;
	s8 =	ssub.s32 s8, s9;
	s6 =	sadd.s32 s6, s31  }
0xc: {  	s9 =	simm.s32 $0x1400;
	s7 =	sadd.s32 s7, s4;
	s4 =	sadd.s32 $0x67400, s4  }
0xd: {  	s5 =	sadd.s32 $0x800, s7;
	s7 =	smax.u32 s8, $0x1;
	s8 =	simm.s32 $0x2  }
.LBB2_1:
0xe: {  	[tilespmem:s2], [sflag:$0x2] =	stream.linear.gather [hbm4b:s5+s2], $0x1380, $0x38;
	[tilespmem:$0x2F00] =	vst v63  }
0xf: {  	_ =	swait.ge [sflag:s8], $0x1380  }
0x10: {  	[sflag:s8] =	ssyncset.done $0x0  }
0x11: {  	[sflag:s8] =	ssyncadd.s32 $0xFFFFEC80  }
0x12: {  	[tilespmem:s9], [sflag:$0x2] =	stream.linear.gather [hbm4b:s4+s2], $0x80, $0x38;
	[tilespmem:$0x2F00] =	vst v63  }
0x13: {  	_ =	swait.ge [sflag:s8], $0x80  }
0x14: {  	[sflag:s8] =	ssyncset.done $0x0  }
0x15: {  	s24 =	simm.s32 $0x6F0;
	[sflag:s8] =	ssyncadd.s32 $0xFFFFFF80  }
0x16: {  	v0 =	vld [tilespmem:s24+$0xFFFFFF90];
	_ =	sdelay $0x4  }
0x17: {  	v0 =	vtrunc.f32 v0  }
0x18: {  	v0 =	vcvt.f32.s32 v0;
	_ =	sdelay $0x1  }
0x19: {  	v1 =	vshll.u32 v0, $0x3  }
0x1a: {  	v0 =	vand.u32 $0x7F, v0;
	v1 =	vand.u32 $0xFFFFFC00, v1  }
0x1b: {  	v0 =	vor.u32 v1, v0  }
0x1c: {  	s23 =	simm.s32 $0x14C0;
	v0 =	vor.u32 s2, v0  }
0x1d: {  	[tilespmem:s23+$0xFFFFFFC0] =	vst v0  }
0x1e: {  	v0 =	vld [tilespmem:s24+$0xFFFFFFA0];
	_ =	sdelay $0x4  }
0x1f: {  	v0 =	vtrunc.f32 v0  }
0x20: {  	v0 =	vcvt.f32.s32 v0;
	_ =	sdelay $0x1  }
0x21: {  	v1 =	vshll.u32 v0, $0x3  }
0x22: {  	v0 =	vand.u32 $0x7F, v0;
	v1 =	vand.u32 $0xFFFFFC00, v1  }
0x23: {  	v0 =	vor.u32 v1, v0  }
0x24: {  	v0 =	vor.u32 s2, v0  }
0x25: {  	[tilespmem:s23+$0xFFFFFFD0] =	vst v0  }
0x26: {  	v0 =	vld [tilespmem:s24+$0xFFFFFFB0];
	_ =	sdelay $0x4  }
0x27: {  	v0 =	vtrunc.f32 v0  }
0x28: {  	v0 =	vcvt.f32.s32 v0;
	_ =	sdelay $0x1  }
0x29: {  	v1 =	vshll.u32 v0, $0x3  }
0x2a: {  	v0 =	vand.u32 $0x7F, v0;
	v1 =	vand.u32 $0xFFFFFC00, v1  }
0x2b: {  	v0 =	vor.u32 v1, v0  }
0x2c: {  	v0 =	vor.u32 s2, v0  }
0x2d: {  	[tilespmem:s23+$0xFFFFFFE0] =	vst v0  }
0x2e: {  	v0 =	vld [tilespmem:s24+$0xFFFFFFC0];
	_ =	sdelay $0x4  }
0x2f: {  	v0 =	vtrunc.f32 v0  }
0x30: {  	v0 =	vcvt.f32.s32 v0;
	_ =	sdelay $0x1  }
0x31: {  	v1 =	vshll.u32 v0, $0x3  }
0x32: {  	v0 =	vand.u32 $0x7F, v0;
	v1 =	vand.u32 $0xFFFFFC00, v1  }
0x33: {  	v0 =	vor.u32 v1, v0  }
0x34: {  	v0 =	vor.u32 s2, v0  }
0x35: {  	[tilespmem:s23+$0xFFFFFFF0] =	vst v0  }
0x36: {  	v0 =	vld [tilespmem:s24+$0xFFFFFFD0];
	_ =	sdelay $0x4  }
0x37: {  	v0 =	vtrunc.f32 v0  }
0x38: {  	v0 =	vcvt.f32.s32 v0;
	_ =	sdelay $0x1  }
0x39: {  	v1 =	vshll.u32 v0, $0x3  }
0x3a: {  	v0 =	vand.u32 $0x7F, v0;
	v1 =	vand.u32 $0xFFFFFC00, v1  }
0x3b: {  	v0 =	vor.u32 v1, v0  }
0x3c: {  	v0 =	vor.u32 s2, v0  }
0x3d: {  	[tilespmem:s23+$0x0] =	vst v0  }
0x3e: {  	v0 =	vld [tilespmem:s24+$0xFFFFFFE0];
	_ =	sdelay $0x4  }
0x3f: {  	v0 =	vtrunc.f32 v0  }
0x40: {  	v0 =	vcvt.f32.s32 v0;
	_ =	sdelay $0x1  }
0x41: {  	v1 =	vshll.u32 v0, $0x3  }
0x42: {  	v0 =	vand.u32 $0x7F, v0;
	v1 =	vand.u32 $0xFFFFFC00, v1  }
0x43: {  	v0 =	vor.u32 v1, v0  }
0x44: {  	v0 =	vor.u32 s2, v0  }
0x45: {  	[tilespmem:s23+$0x10] =	vst v0  }
0x46: {  	v0 =	vld [tilespmem:s24+$0xFFFFFFF0];
	_ =	sdelay $0x4  }
0x47: {  	v0 =	vtrunc.f32 v0  }
0x48: {  	v0 =	vcvt.f32.s32 v0;
	_ =	sdelay $0x1  }
0x49: {  	v1 =	vshll.u32 v0, $0x3  }
0x4a: {  	v0 =	vand.u32 $0x7F, v0;
	v1 =	vand.u32 $0xFFFFFC00, v1  }
0x4b: {  	v0 =	vor.u32 v1, v0  }
0x4c: {  	v0 =	vor.u32 s2, v0  }
0x4d: {  	[tilespmem:s23+$0x20] =	vst v0  }
0x4e: {  	v0 =	vld [tilespmem:s24+$0x0];
	_ =	sdelay $0x4  }
0x4f: {  	v0 =	vtrunc.f32 v0  }
0x50: {  	v0 =	vcvt.f32.s32 v0;
	_ =	sdelay $0x1  }
0x51: {  	v1 =	vshll.u32 v0, $0x3  }
0x52: {  	v0 =	vand.u32 $0x7F, v0;
	v1 =	vand.u32 $0xFFFFFC00, v1  }
0x53: {  	v0 =	vor.u32 v1, v0  }
0x54: {  	v0 =	vor.u32 s2, v0  }
0x55: {  	s25 =	simm.s32 $0x770;
	[tilespmem:s23+$0x30] =	vst v0  }
0x56: {  	s26 =	simm.s32 $0x100;
	s24 =	simm.s32 $0x80;
	v0 =	vld [tilespmem:s25+$0xFFFFFF90]  }
.LBB2_2:
0x57: {  	p0 =	sne.s32 s26, $0x280;
	_ =	sdelay $0x3  }
0x58: {  	v0 =	vtrunc.f32 v0  }
0x59: {  	v0 =	vcvt.f32.s32 v0;
	_ =	sdelay $0x1  }
0x5a: {  	v1 =	vshll.u32 v0, $0x3  }
0x5b: {  	v0 =	vand.u32 $0x7F, v0;
	v1 =	vand.u32 $0xFFFFFC00, v1  }
0x5c: {  	v0 =	vor.u32 v1, v0  }
0x5d: {  	s23 =	sadd.s32 $0x80, s23;
	v0 =	vor.u32 s24, v0  }
0x5e: {  	[tilespmem:s23+$0xFFFFFFC0] =	vst v0  }
0x5f: {  	v0 =	vld [tilespmem:s25+$0xFFFFFFA0];
	_ =	sdelay $0x4  }
0x60: {  	v0 =	vtrunc.f32 v0  }
0x61: {  	v0 =	vcvt.f32.s32 v0;
	_ =	sdelay $0x1  }
0x62: {  	v1 =	vshll.u32 v0, $0x3  }
0x63: {  	v0 =	vand.u32 $0x7F, v0;
	v1 =	vand.u32 $0xFFFFFC00, v1  }
0x64: {  	v0 =	vor.u32 v1, v0  }
0x65: {  	v0 =	vor.u32 s24, v0  }
0x66: {  	[tilespmem:s23+$0xFFFFFFD0] =	vst v0  }
0x67: {  	v0 =	vld [tilespmem:s25+$0xFFFFFFB0];
	_ =	sdelay $0x4  }
0x68: {  	v0 =	vtrunc.f32 v0  }
0x69: {  	v0 =	vcvt.f32.s32 v0;
	_ =	sdelay $0x1  }
0x6a: {  	v1 =	vshll.u32 v0, $0x3  }
0x6b: {  	v0 =	vand.u32 $0x7F, v0;
	v1 =	vand.u32 $0xFFFFFC00, v1  }
0x6c: {  	v0 =	vor.u32 v1, v0  }
0x6d: {  	v0 =	vor.u32 s24, v0  }
0x6e: {  	[tilespmem:s23+$0xFFFFFFE0] =	vst v0  }
0x6f: {  	v0 =	vld [tilespmem:s25+$0xFFFFFFC0];
	_ =	sdelay $0x4  }
0x70: {  	v0 =	vtrunc.f32 v0  }
0x71: {  	v0 =	vcvt.f32.s32 v0;
	_ =	sdelay $0x1  }
0x72: {  	v1 =	vshll.u32 v0, $0x3  }
0x73: {  	v0 =	vand.u32 $0x7F, v0;
	v1 =	vand.u32 $0xFFFFFC00, v1  }
0x74: {  	v0 =	vor.u32 v1, v0  }
0x75: {  	v0 =	vor.u32 s24, v0  }
0x76: {  	[tilespmem:s23+$0xFFFFFFF0] =	vst v0  }
0x77: {  	v0 =	vld [tilespmem:s25+$0xFFFFFFD0];
	_ =	sdelay $0x4  }
0x78: {  	v0 =	vtrunc.f32 v0  }
0x79: {  	v0 =	vcvt.f32.s32 v0;
	_ =	sdelay $0x1  }
0x7a: {  	v1 =	vshll.u32 v0, $0x3  }
0x7b: {  	v0 =	vand.u32 $0x7F, v0;
	v1 =	vand.u32 $0xFFFFFC00, v1  }
0x7c: {  	v0 =	vor.u32 v1, v0  }
0x7d: {  	v0 =	vor.u32 s24, v0  }
0x7e: {  	[tilespmem:s23+$0x0] =	vst v0  }
0x7f: {  	v0 =	vld [tilespmem:s25+$0xFFFFFFE0];
	_ =	sdelay $0x4  }
0x80: {  	v0 =	vtrunc.f32 v0  }
0x81: {  	v0 =	vcvt.f32.s32 v0;
	_ =	sdelay $0x1  }
0x82: {  	v1 =	vshll.u32 v0, $0x3  }
0x83: {  	v0 =	vand.u32 $0x7F, v0;
	v1 =	vand.u32 $0xFFFFFC00, v1  }
0x84: {  	v0 =	vor.u32 v1, v0  }
0x85: {  	v0 =	vor.u32 s24, v0  }
0x86: {  	[tilespmem:s23+$0x10] =	vst v0  }
0x87: {  	v0 =	vld [tilespmem:s25+$0xFFFFFFF0];
	_ =	sdelay $0x4  }
0x88: {  	v0 =	vtrunc.f32 v0  }
0x89: {  	v0 =	vcvt.f32.s32 v0;
	_ =	sdelay $0x1  }
0x8a: {  	v1 =	vshll.u32 v0, $0x3  }
0x8b: {  	v0 =	vand.u32 $0x7F, v0;
	v1 =	vand.u32 $0xFFFFFC00, v1  }
0x8c: {  	v0 =	vor.u32 v1, v0  }
0x8d: {  	v0 =	vor.u32 s24, v0  }
0x8e: {  	[tilespmem:s23+$0x20] =	vst v0  }
0x8f: {  	v0 =	vld [tilespmem:s25+$0x0];
	_ =	sdelay $0x4  }
0x90: {  	v0 =	vtrunc.f32 v0  }
0x91: {  	v0 =	vcvt.f32.s32 v0;
	_ =	sdelay $0x1  }
0x92: {  	v1 =	vshll.u32 v0, $0x3  }
.Ltmp0:
0x93: {  	v0 =	vand.u32 $0x7F, v0;
	v1 =	vand.u32 $0xFFFFFC00, v1;
	(pc) =	sbr.rel @p0 .LBB2_2-.Ltmp0, $4  }
0x94: {  	v0 =	vor.u32 v1, v0  }
0x95: {  	v0 =	vor.u32 s24, v0;
	s24 =	smov.u32 s26  }
0x96: {  	s25 =	sadd.s32 $0x80, s25;
	[tilespmem:s23+$0x30] =	vst v0  }
0x97: {  	s26 =	sadd.s32 $0x80, s26;
	v0 =	vld [tilespmem:s25+$0xFFFFFF90]  }
0x98: {  	_ =	sdelay $0x3  }
0x99: {  	v0 =	vtrunc.f32 v0  }
0x9a: {  	v0 =	vcvt.f32.s32 v0;
	_ =	sdelay $0x1  }
0x9b: {  	v1 =	vshll.u32 v0, $0x3  }
0x9c: {  	v0 =	vand.u32 $0x7F, v0;
	v1 =	vand.u32 $0xFFFFFC00, v1  }
0x9d: {  	v0 =	vor.u32 v1, v0  }
0x9e: {  	s23 =	sadd.s32 $0x80, s23;
	v0 =	vor.u32 s24, v0  }
0x9f: {  	[tilespmem:s23+$0xFFFFFFC0] =	vst v0  }
0xa0: {  	v0 =	vld [tilespmem:s25+$0xFFFFFFA0];
	_ =	sdelay $0x4  }
0xa1: {  	v0 =	vtrunc.f32 v0  }
0xa2: {  	v0 =	vcvt.f32.s32 v0;
	_ =	sdelay $0x1  }
0xa3: {  	v1 =	vshll.u32 v0, $0x3  }
0xa4: {  	v0 =	vand.u32 $0x7F, v0;
	v1 =	vand.u32 $0xFFFFFC00, v1  }
0xa5: {  	v0 =	vor.u32 v1, v0  }
0xa6: {  	v0 =	vor.u32 s24, v0  }
0xa7: {  	[tilespmem:s23+$0xFFFFFFD0] =	vst v0  }
0xa8: {  	v0 =	vld [tilespmem:s25+$0xFFFFFFB0];
	_ =	sdelay $0x4  }
0xa9: {  	v0 =	vtrunc.f32 v0  }
0xaa: {  	v0 =	vcvt.f32.s32 v0;
	_ =	sdelay $0x1  }
0xab: {  	v1 =	vshll.u32 v0, $0x3  }
0xac: {  	v0 =	vand.u32 $0x7F, v0;
	v1 =	vand.u32 $0xFFFFFC00, v1  }
0xad: {  	v0 =	vor.u32 v1, v0  }
0xae: {  	v0 =	vor.u32 s24, v0  }
0xaf: {  	[tilespmem:s23+$0xFFFFFFE0] =	vst v0  }
0xb0: {  	v0 =	vld [tilespmem:s25+$0xFFFFFFC0];
	_ =	sdelay $0x4  }
0xb1: {  	v0 =	vtrunc.f32 v0  }
0xb2: {  	v0 =	vcvt.f32.s32 v0;
	_ =	sdelay $0x1  }
0xb3: {  	v1 =	vshll.u32 v0, $0x3  }
0xb4: {  	v0 =	vand.u32 $0x7F, v0;
	v1 =	vand.u32 $0xFFFFFC00, v1  }
0xb5: {  	v0 =	vor.u32 v1, v0  }
0xb6: {  	v0 =	vor.u32 s24, v0  }
0xb7: {  	[tilespmem:s23+$0xFFFFFFF0] =	vst v0  }
0xb8: {  	v0 =	vld [tilespmem:s25+$0xFFFFFFD0];
	_ =	sdelay $0x4  }
0xb9: {  	v0 =	vtrunc.f32 v0  }
0xba: {  	v0 =	vcvt.f32.s32 v0;
	_ =	sdelay $0x1  }
0xbb: {  	v1 =	vshll.u32 v0, $0x3  }
0xbc: {  	v0 =	vand.u32 $0x7F, v0;
	v1 =	vand.u32 $0xFFFFFC00, v1  }
0xbd: {  	v0 =	vor.u32 v1, v0  }
0xbe: {  	v0 =	vor.u32 s24, v0  }
0xbf: {  	[tilespmem:s23+$0x0] =	vst v0  }
0xc0: {  	v0 =	vld [tilespmem:s25+$0xFFFFFFE0];
	_ =	sdelay $0x4  }
0xc1: {  	v0 =	vtrunc.f32 v0  }
0xc2: {  	v0 =	vcvt.f32.s32 v0;
	_ =	sdelay $0x1  }
0xc3: {  	v1 =	vshll.u32 v0, $0x3  }
0xc4: {  	v0 =	vand.u32 $0x7F, v0;
	v1 =	vand.u32 $0xFFFFFC00, v1  }
0xc5: {  	v0 =	vor.u32 v1, v0  }
0xc6: {  	v0 =	vor.u32 s24, v0  }
0xc7: {  	[tilespmem:s23+$0x10] =	vst v0  }
0xc8: {  	v0 =	vld [tilespmem:s25+$0xFFFFFFF0];
	_ =	sdelay $0x4  }
0xc9: {  	v0 =	vtrunc.f32 v0  }
0xca: {  	v0 =	vcvt.f32.s32 v0;
	_ =	sdelay $0x1  }
0xcb: {  	v1 =	vshll.u32 v0, $0x3  }
0xcc: {  	v0 =	vand.u32 $0x7F, v0;
	v1 =	vand.u32 $0xFFFFFC00, v1  }
0xcd: {  	v0 =	vor.u32 v1, v0  }
0xce: {  	v0 =	vor.u32 s24, v0  }
0xcf: {  	[tilespmem:s23+$0x20] =	vst v0  }
0xd0: {  	v0 =	vld [tilespmem:s25+$0x0];
	_ =	sdelay $0x4  }
0xd1: {  	v0 =	vtrunc.f32 v0  }
0xd2: {  	v0 =	vcvt.f32.s32 v0;
	_ =	sdelay $0x1  }
0xd3: {  	v1 =	vshll.u32 v0, $0x3  }
0xd4: {  	v0 =	vand.u32 $0x7F, v0;
	v1 =	vand.u32 $0xFFFFFC00, v1  }
0xd5: {  	v0 =	vor.u32 v1, v0  }
0xd6: {  	v0 =	vor.u32 s24, v0  }
0xd7: {  	s29 =	simm.s32 $0x300;
	s30 =	simm.s32 $0x9F0;
	[tilespmem:s23+$0x30] =	vst v0  }
0xd8: {  	[tilespmem:s11], [sflag:$0x1] =	stream.indirect.gather [hbm4b:s3+s29], $0x1, s10, s29, $0xb8;
	[tilespmem:$0x2F00] =	vst v63  }
0xd9: {  	v0 =	vld [tilespmem:s30+$0xFFFFFF90];
	_ =	sdelay $0x4  }
0xda: {  	v0 =	vtrunc.f32 v0  }
0xdb: {  	s31 =	simm.s32 $0x0;
	v0 =	vcvt.f32.s32 v0  }
0xdc: {  	s25 =	smul.u32 $0xC3800, s31  }
0xdd: {  	s23 =	sand.u32 $0x380, s29;
	v1 =	vshll.u32 v0, $0x3  }
0xde: {  	s25 =	sor.u32 s23, s25;
	v1 =	vand.u32 $0xFFFFFC00, v1  }
0xdf: {  	v0 =	vand.u32 $0x7F, v0;
	v1 =	vadd.s32 s25, v1  }
0xe0: {  	s23 =	simm.s32 $0x17F0;
	v0 =	vor.u32 v0, v1  }
0xe1: {  	[tilespmem:s23+$0xFFFFFF90] =	vst v0  }
0xe2: {  	v0 =	vld [tilespmem:s30+$0xFFFFFFA0];
	_ =	sdelay $0x4  }
0xe3: {  	v0 =	vtrunc.f32 v0  }
0xe4: {  	v0 =	vcvt.f32.s32 v0;
	_ =	sdelay $0x1  }
0xe5: {  	v1 =	vshll.u32 v0, $0x3  }
0xe6: {  	v1 =	vand.u32 $0xFFFFFC00, v1  }
0xe7: {  	v0 =	vand.u32 $0x7F, v0;
	v1 =	vadd.s32 s25, v1  }
0xe8: {  	v0 =	vor.u32 v0, v1  }
0xe9: {  	[tilespmem:s23+$0xFFFFFFA0] =	vst v0  }
0xea: {  	v0 =	vld [tilespmem:s30+$0xFFFFFFB0];
	_ =	sdelay $0x4  }
0xeb: {  	v0 =	vtrunc.f32 v0  }
0xec: {  	v0 =	vcvt.f32.s32 v0;
	_ =	sdelay $0x1  }
0xed: {  	v1 =	vshll.u32 v0, $0x3  }
0xee: {  	v1 =	vand.u32 $0xFFFFFC00, v1  }
0xef: {  	v0 =	vand.u32 $0x7F, v0;
	v1 =	vadd.s32 s25, v1  }
0xf0: {  	v0 =	vor.u32 v0, v1  }
0xf1: {  	[tilespmem:s23+$0xFFFFFFB0] =	vst v0  }
0xf2: {  	v0 =	vld [tilespmem:s30+$0xFFFFFFC0];
	_ =	sdelay $0x4  }
0xf3: {  	v0 =	vtrunc.f32 v0  }
0xf4: {  	v0 =	vcvt.f32.s32 v0;
	_ =	sdelay $0x1  }
0xf5: {  	v1 =	vshll.u32 v0, $0x3  }
0xf6: {  	v1 =	vand.u32 $0xFFFFFC00, v1  }
0xf7: {  	v0 =	vand.u32 $0x7F, v0;
	v1 =	vadd.s32 s25, v1  }
0xf8: {  	v0 =	vor.u32 v0, v1  }
0xf9: {  	[tilespmem:s23+$0xFFFFFFC0] =	vst v0  }
0xfa: {  	v0 =	vld [tilespmem:s30+$0xFFFFFFD0];
	_ =	sdelay $0x4  }
0xfb: {  	v0 =	vtrunc.f32 v0  }
0xfc: {  	v0 =	vcvt.f32.s32 v0;
	_ =	sdelay $0x1  }
0xfd: {  	v1 =	vshll.u32 v0, $0x3  }
0xfe: {  	v1 =	vand.u32 $0xFFFFFC00, v1  }
0xff: {  	v0 =	vand.u32 $0x7F, v0;
	v1 =	vadd.s32 s25, v1  }
0x100: {  	v0 =	vor.u32 v0, v1  }
0x101: {  	[tilespmem:s23+$0xFFFFFFD0] =	vst v0  }
0x102: {  	v0 =	vld [tilespmem:s30+$0xFFFFFFE0];
	_ =	sdelay $0x4  }
0x103: {  	v0 =	vtrunc.f32 v0  }
0x104: {  	v0 =	vcvt.f32.s32 v0;
	_ =	sdelay $0x1  }
0x105: {  	v1 =	vshll.u32 v0, $0x3  }
0x106: {  	v1 =	vand.u32 $0xFFFFFC00, v1  }
0x107: {  	v0 =	vand.u32 $0x7F, v0;
	v1 =	vadd.s32 s25, v1  }
0x108: {  	v0 =	vor.u32 v0, v1  }
0x109: {  	[tilespmem:s23+$0xFFFFFFE0] =	vst v0  }
0x10a: {  	v0 =	vld [tilespmem:s30+$0xFFFFFFF0];
	_ =	sdelay $0x4  }
0x10b: {  	v0 =	vtrunc.f32 v0  }
0x10c: {  	v0 =	vcvt.f32.s32 v0;
	_ =	sdelay $0x1  }
0x10d: {  	v1 =	vshll.u32 v0, $0x3  }
0x10e: {  	v1 =	vand.u32 $0xFFFFFC00, v1  }
0x10f: {  	v0 =	vand.u32 $0x7F, v0;
	v1 =	vadd.s32 s25, v1  }
0x110: {  	v0 =	vor.u32 v0, v1  }
0x111: {  	[tilespmem:s23+$0xFFFFFFF0] =	vst v0  }
0x112: {  	v0 =	vld [tilespmem:s30+$0x0];
	_ =	sdelay $0x4  }
0x113: {  	v0 =	vtrunc.f32 v0  }
0x114: {  	v0 =	vcvt.f32.s32 v0;
	_ =	sdelay $0x1  }
0x115: {  	v1 =	vshll.u32 v0, $0x3  }
0x116: {  	v1 =	vand.u32 $0xFFFFFC00, v1  }
0x117: {  	v0 =	vand.u32 $0x7F, v0;
	v1 =	vadd.s32 s25, v1  }
0x118: {  	v0 =	vor.u32 v0, v1  }
0x119: {  	s24 =	simm.s32 $0xA70;
	[tilespmem:s23+$0x0] =	vst v0  }
0x11a: {  	s26 =	simm.s32 $0x6;
	s28 =	simm.s32 $0x400;
	s25 =	simm.s32 $0x380;
	v0 =	vld [tilespmem:s24+$0xFFFFFF90]  }
.LBB2_4:
0x11b: {  	p0 =	sne.s32 s28, $0x600;
	_ =	sdelay $0x3  }
0x11c: {  	s26 =	sadd.s32 $0x1, s26;
	v0 =	vtrunc.f32 v0  }
0x11d: {  	s29 =	sshrl.u32 s26, $0x3;
	v0 =	vcvt.f32.s32 v0  }
0x11e: {  	s29 =	smul.u32 $0xC3800, s29  }
0x11f: {  	s30 =	sand.u32 $0x380, s25;
	s25 =	smov.u32 s28;
	v1 =	vshll.u32 v0, $0x3  }
0x120: {  	s29 =	sor.u32 s30, s29;
	v1 =	vand.u32 $0xFFFFFC00, v1  }
0x121: {  	v0 =	vand.u32 $0x7F, v0;
	v1 =	vadd.s32 s29, v1  }
0x122: {  	s23 =	sadd.s32 $0x80, s23;
	v0 =	vor.u32 v0, v1  }
0x123: {  	[tilespmem:s23+$0xFFFFFF90] =	vst v0  }
0x124: {  	v0 =	vld [tilespmem:s24+$0xFFFFFFA0];
	_ =	sdelay $0x4  }
0x125: {  	v0 =	vtrunc.f32 v0  }
0x126: {  	v0 =	vcvt.f32.s32 v0;
	_ =	sdelay $0x1  }
0x127: {  	v1 =	vshll.u32 v0, $0x3  }
0x128: {  	v1 =	vand.u32 $0xFFFFFC00, v1  }
0x129: {  	v0 =	vand.u32 $0x7F, v0;
	v1 =	vadd.s32 s29, v1  }
0x12a: {  	v0 =	vor.u32 v0, v1  }
0x12b: {  	[tilespmem:s23+$0xFFFFFFA0] =	vst v0  }
0x12c: {  	v0 =	vld [tilespmem:s24+$0xFFFFFFB0];
	_ =	sdelay $0x4  }
0x12d: {  	v0 =	vtrunc.f32 v0  }
0x12e: {  	v0 =	vcvt.f32.s32 v0;
	_ =	sdelay $0x1  }
0x12f: {  	v1 =	vshll.u32 v0, $0x3  }
0x130: {  	v1 =	vand.u32 $0xFFFFFC00, v1  }
0x131: {  	v0 =	vand.u32 $0x7F, v0;
	v1 =	vadd.s32 s29, v1  }
0x132: {  	v0 =	vor.u32 v0, v1  }
0x133: {  	[tilespmem:s23+$0xFFFFFFB0] =	vst v0  }
0x134: {  	v0 =	vld [tilespmem:s24+$0xFFFFFFC0];
	_ =	sdelay $0x4  }
0x135: {  	v0 =	vtrunc.f32 v0  }
0x136: {  	v0 =	vcvt.f32.s32 v0;
	_ =	sdelay $0x1  }
0x137: {  	v1 =	vshll.u32 v0, $0x3  }
0x138: {  	v1 =	vand.u32 $0xFFFFFC00, v1  }
0x139: {  	v0 =	vand.u32 $0x7F, v0;
	v1 =	vadd.s32 s29, v1  }
0x13a: {  	v0 =	vor.u32 v0, v1  }
0x13b: {  	[tilespmem:s23+$0xFFFFFFC0] =	vst v0  }
0x13c: {  	v0 =	vld [tilespmem:s24+$0xFFFFFFD0];
	_ =	sdelay $0x4  }
0x13d: {  	v0 =	vtrunc.f32 v0  }
0x13e: {  	v0 =	vcvt.f32.s32 v0;
	_ =	sdelay $0x1  }
0x13f: {  	v1 =	vshll.u32 v0, $0x3  }
0x140: {  	v1 =	vand.u32 $0xFFFFFC00, v1  }
0x141: {  	v0 =	vand.u32 $0x7F, v0;
	v1 =	vadd.s32 s29, v1  }
0x142: {  	v0 =	vor.u32 v0, v1  }
0x143: {  	[tilespmem:s23+$0xFFFFFFD0] =	vst v0  }
0x144: {  	v0 =	vld [tilespmem:s24+$0xFFFFFFE0];
	_ =	sdelay $0x4  }
0x145: {  	v0 =	vtrunc.f32 v0  }
0x146: {  	v0 =	vcvt.f32.s32 v0;
	_ =	sdelay $0x1  }
0x147: {  	v1 =	vshll.u32 v0, $0x3  }
0x148: {  	v1 =	vand.u32 $0xFFFFFC00, v1  }
0x149: {  	v0 =	vand.u32 $0x7F, v0;
	v1 =	vadd.s32 s29, v1  }
0x14a: {  	v0 =	vor.u32 v0, v1  }
0x14b: {  	[tilespmem:s23+$0xFFFFFFE0] =	vst v0  }
0x14c: {  	v0 =	vld [tilespmem:s24+$0xFFFFFFF0];
	_ =	sdelay $0x4  }
0x14d: {  	v0 =	vtrunc.f32 v0  }
0x14e: {  	v0 =	vcvt.f32.s32 v0;
	_ =	sdelay $0x1  }
0x14f: {  	v1 =	vshll.u32 v0, $0x3  }
0x150: {  	v1 =	vand.u32 $0xFFFFFC00, v1  }
0x151: {  	v0 =	vand.u32 $0x7F, v0;
	v1 =	vadd.s32 s29, v1  }
0x152: {  	v0 =	vor.u32 v0, v1  }
0x153: {  	[tilespmem:s23+$0xFFFFFFF0] =	vst v0  }
0x154: {  	v0 =	vld [tilespmem:s24+$0x0];
	_ =	sdelay $0x4  }
0x155: {  	v0 =	vtrunc.f32 v0  }
0x156: {  	v0 =	vcvt.f32.s32 v0;
	_ =	sdelay $0x1  }
0x157: {  	v1 =	vshll.u32 v0, $0x3  }
.Ltmp1:
0x158: {  	v1 =	vand.u32 $0xFFFFFC00, v1;
	(pc) =	sbr.rel @p0 .LBB2_4-.Ltmp1, $4  }
0x159: {  	v0 =	vand.u32 $0x7F, v0;
	v1 =	vadd.s32 s29, v1  }
0x15a: {  	v0 =	vor.u32 v0, v1  }
0x15b: {  	s24 =	sadd.s32 $0x80, s24;
	[tilespmem:s23+$0x0] =	vst v0  }
0x15c: {  	s28 =	sadd.s32 $0x80, s28;
	v0 =	vld [tilespmem:s24+$0xFFFFFF90]  }
0x15d: {  	_ =	sdelay $0x3  }
0x15e: {  	s26 =	sadd.s32 $0x1, s26;
	v0 =	vtrunc.f32 v0  }
0x15f: {  	s26 =	sshrl.u32 s26, $0x3;
	v0 =	vcvt.f32.s32 v0  }
0x160: {  	s26 =	smul.u32 $0xC3800, s26  }
0x161: {  	s25 =	sand.u32 $0x380, s25;
	v1 =	vshll.u32 v0, $0x3  }
0x162: {  	s25 =	sor.u32 s25, s26;
	v1 =	vand.u32 $0xFFFFFC00, v1  }
0x163: {  	v0 =	vand.u32 $0x7F, v0;
	v1 =	vadd.s32 s25, v1  }
0x164: {  	s23 =	sadd.s32 $0x80, s23;
	v0 =	vor.u32 v0, v1  }
0x165: {  	[tilespmem:s23+$0xFFFFFF90] =	vst v0  }
0x166: {  	v0 =	vld [tilespmem:s24+$0xFFFFFFA0];
	_ =	sdelay $0x4  }
0x167: {  	v0 =	vtrunc.f32 v0  }
0x168: {  	v0 =	vcvt.f32.s32 v0;
	_ =	sdelay $0x1  }
0x169: {  	v1 =	vshll.u32 v0, $0x3  }
0x16a: {  	v1 =	vand.u32 $0xFFFFFC00, v1  }
0x16b: {  	v0 =	vand.u32 $0x7F, v0;
	v1 =	vadd.s32 s25, v1  }
0x16c: {  	v0 =	vor.u32 v0, v1  }
0x16d: {  	[tilespmem:s23+$0xFFFFFFA0] =	vst v0  }
0x16e: {  	v0 =	vld [tilespmem:s24+$0xFFFFFFB0];
	_ =	sdelay $0x4  }
0x16f: {  	v0 =	vtrunc.f32 v0  }
0x170: {  	v0 =	vcvt.f32.s32 v0;
	_ =	sdelay $0x1  }
0x171: {  	v1 =	vshll.u32 v0, $0x3  }
0x172: {  	v1 =	vand.u32 $0xFFFFFC00, v1  }
0x173: {  	v0 =	vand.u32 $0x7F, v0;
	v1 =	vadd.s32 s25, v1  }
0x174: {  	v0 =	vor.u32 v0, v1  }
0x175: {  	[tilespmem:s23+$0xFFFFFFB0] =	vst v0  }
0x176: {  	v0 =	vld [tilespmem:s24+$0xFFFFFFC0];
	_ =	sdelay $0x4  }
0x177: {  	v0 =	vtrunc.f32 v0  }
0x178: {  	v0 =	vcvt.f32.s32 v0;
	_ =	sdelay $0x1  }
0x179: {  	v1 =	vshll.u32 v0, $0x3  }
0x17a: {  	v1 =	vand.u32 $0xFFFFFC00, v1  }
0x17b: {  	v0 =	vand.u32 $0x7F, v0;
	v1 =	vadd.s32 s25, v1  }
0x17c: {  	v0 =	vor.u32 v0, v1  }
0x17d: {  	[tilespmem:s23+$0xFFFFFFC0] =	vst v0  }
0x17e: {  	v0 =	vld [tilespmem:s24+$0xFFFFFFD0];
	_ =	sdelay $0x4  }
0x17f: {  	v0 =	vtrunc.f32 v0  }
0x180: {  	v0 =	vcvt.f32.s32 v0;
	_ =	sdelay $0x1  }
0x181: {  	v1 =	vshll.u32 v0, $0x3  }
0x182: {  	v1 =	vand.u32 $0xFFFFFC00, v1  }
0x183: {  	v0 =	vand.u32 $0x7F, v0;
	v1 =	vadd.s32 s25, v1  }
0x184: {  	v0 =	vor.u32 v0, v1  }
0x185: {  	[tilespmem:s23+$0xFFFFFFD0] =	vst v0  }
0x186: {  	v0 =	vld [tilespmem:s24+$0xFFFFFFE0];
	_ =	sdelay $0x4  }
0x187: {  	v0 =	vtrunc.f32 v0  }
0x188: {  	v0 =	vcvt.f32.s32 v0;
	_ =	sdelay $0x1  }
0x189: {  	v1 =	vshll.u32 v0, $0x3  }
0x18a: {  	v1 =	vand.u32 $0xFFFFFC00, v1  }
0x18b: {  	v0 =	vand.u32 $0x7F, v0;
	v1 =	vadd.s32 s25, v1  }
0x18c: {  	v0 =	vor.u32 v0, v1  }
0x18d: {  	[tilespmem:s23+$0xFFFFFFE0] =	vst v0  }
0x18e: {  	v0 =	vld [tilespmem:s24+$0xFFFFFFF0];
	_ =	sdelay $0x4  }
0x18f: {  	v0 =	vtrunc.f32 v0  }
0x190: {  	v0 =	vcvt.f32.s32 v0;
	_ =	sdelay $0x1  }
0x191: {  	v1 =	vshll.u32 v0, $0x3  }
0x192: {  	v1 =	vand.u32 $0xFFFFFC00, v1  }
0x193: {  	v0 =	vand.u32 $0x7F, v0;
	v1 =	vadd.s32 s25, v1  }
0x194: {  	v0 =	vor.u32 v0, v1  }
0x195: {  	[tilespmem:s23+$0xFFFFFFF0] =	vst v0  }
0x196: {  	v0 =	vld [tilespmem:s24+$0x0];
	_ =	sdelay $0x4  }
0x197: {  	v0 =	vtrunc.f32 v0  }
0x198: {  	v0 =	vcvt.f32.s32 v0;
	_ =	sdelay $0x1  }
0x199: {  	v1 =	vshll.u32 v0, $0x3  }
0x19a: {  	v1 =	vand.u32 $0xFFFFFC00, v1  }
0x19b: {  	v0 =	vand.u32 $0x7F, v0;
	v1 =	vadd.s32 s25, v1  }
0x19c: {  	v0 =	vor.u32 v0, v1  }
0x19d: {  	s29 =	simm.s32 $0xD70;
	[tilespmem:s23+$0x0] =	vst v0  }
0x19e: {  	[tilespmem:s14], [sflag:$0x1] =	stream.indirect.gather [hbm4b:s3+s12], $0x1, s13, s12, $0xb8;
	[tilespmem:$0x2F00] =	vst v63  }
0x19f: {  	v0 =	vld [tilespmem:s29+$0xFFFFFF90];
	_ =	sdelay $0x4  }
0x1a0: {  	v0 =	vtrunc.f32 v0  }
0x1a1: {  	s30 =	simm.s32 $0x1;
	v0 =	vcvt.f32.s32 v0  }
0x1a2: {  	s31 =	simm.s32 $0x680;
	s23 =	smul.u32 $0xC3800, s30  }
0x1a3: {  	s25 =	sand.u32 $0x380, s31;
	v1 =	vshll.u32 v0, $0x3  }
0x1a4: {  	s25 =	sor.u32 s25, s23;
	v1 =	vand.u32 $0xFFFFFC00, v1  }
0x1a5: {  	v0 =	vand.u32 $0x7F, v0;
	v1 =	vadd.s32 s25, v1  }
0x1a6: {  	s23 =	simm.s32 $0x1B70;
	v0 =	vor.u32 v0, v1  }
0x1a7: {  	[tilespmem:s23+$0xFFFFFF90] =	vst v0  }
0x1a8: {  	v0 =	vld [tilespmem:s29+$0xFFFFFFA0];
	_ =	sdelay $0x4  }
0x1a9: {  	v0 =	vtrunc.f32 v0  }
0x1aa: {  	v0 =	vcvt.f32.s32 v0;
	_ =	sdelay $0x1  }
0x1ab: {  	v1 =	vshll.u32 v0, $0x3  }
0x1ac: {  	v1 =	vand.u32 $0xFFFFFC00, v1  }
0x1ad: {  	v0 =	vand.u32 $0x7F, v0;
	v1 =	vadd.s32 s25, v1  }
0x1ae: {  	v0 =	vor.u32 v0, v1  }
0x1af: {  	[tilespmem:s23+$0xFFFFFFA0] =	vst v0  }
0x1b0: {  	v0 =	vld [tilespmem:s29+$0xFFFFFFB0];
	_ =	sdelay $0x4  }
0x1b1: {  	v0 =	vtrunc.f32 v0  }
0x1b2: {  	v0 =	vcvt.f32.s32 v0;
	_ =	sdelay $0x1  }
0x1b3: {  	v1 =	vshll.u32 v0, $0x3  }
0x1b4: {  	v1 =	vand.u32 $0xFFFFFC00, v1  }
0x1b5: {  	v0 =	vand.u32 $0x7F, v0;
	v1 =	vadd.s32 s25, v1  }
0x1b6: {  	v0 =	vor.u32 v0, v1  }
0x1b7: {  	[tilespmem:s23+$0xFFFFFFB0] =	vst v0  }
0x1b8: {  	v0 =	vld [tilespmem:s29+$0xFFFFFFC0];
	_ =	sdelay $0x4  }
0x1b9: {  	v0 =	vtrunc.f32 v0  }
0x1ba: {  	v0 =	vcvt.f32.s32 v0;
	_ =	sdelay $0x1  }
0x1bb: {  	v1 =	vshll.u32 v0, $0x3  }
0x1bc: {  	v1 =	vand.u32 $0xFFFFFC00, v1  }
0x1bd: {  	v0 =	vand.u32 $0x7F, v0;
	v1 =	vadd.s32 s25, v1  }
0x1be: {  	v0 =	vor.u32 v0, v1  }
0x1bf: {  	[tilespmem:s23+$0xFFFFFFC0] =	vst v0  }
0x1c0: {  	v0 =	vld [tilespmem:s29+$0xFFFFFFD0];
	_ =	sdelay $0x4  }
0x1c1: {  	v0 =	vtrunc.f32 v0  }
0x1c2: {  	v0 =	vcvt.f32.s32 v0;
	_ =	sdelay $0x1  }
0x1c3: {  	v1 =	vshll.u32 v0, $0x3  }
0x1c4: {  	v1 =	vand.u32 $0xFFFFFC00, v1  }
0x1c5: {  	v0 =	vand.u32 $0x7F, v0;
	v1 =	vadd.s32 s25, v1  }
0x1c6: {  	v0 =	vor.u32 v0, v1  }
0x1c7: {  	[tilespmem:s23+$0xFFFFFFD0] =	vst v0  }
0x1c8: {  	v0 =	vld [tilespmem:s29+$0xFFFFFFE0];
	_ =	sdelay $0x4  }
0x1c9: {  	v0 =	vtrunc.f32 v0  }
0x1ca: {  	v0 =	vcvt.f32.s32 v0;
	_ =	sdelay $0x1  }
0x1cb: {  	v1 =	vshll.u32 v0, $0x3  }
0x1cc: {  	v1 =	vand.u32 $0xFFFFFC00, v1  }
0x1cd: {  	v0 =	vand.u32 $0x7F, v0;
	v1 =	vadd.s32 s25, v1  }
0x1ce: {  	v0 =	vor.u32 v0, v1  }
0x1cf: {  	[tilespmem:s23+$0xFFFFFFE0] =	vst v0  }
0x1d0: {  	v0 =	vld [tilespmem:s29+$0xFFFFFFF0];
	_ =	sdelay $0x4  }
0x1d1: {  	v0 =	vtrunc.f32 v0  }
0x1d2: {  	v0 =	vcvt.f32.s32 v0;
	_ =	sdelay $0x1  }
0x1d3: {  	v1 =	vshll.u32 v0, $0x3  }
0x1d4: {  	v1 =	vand.u32 $0xFFFFFC00, v1  }
0x1d5: {  	v0 =	vand.u32 $0x7F, v0;
	v1 =	vadd.s32 s25, v1  }
0x1d6: {  	v0 =	vor.u32 v0, v1  }
0x1d7: {  	[tilespmem:s23+$0xFFFFFFF0] =	vst v0  }
0x1d8: {  	v0 =	vld [tilespmem:s29+$0x0];
	_ =	sdelay $0x4  }
0x1d9: {  	v0 =	vtrunc.f32 v0  }
0x1da: {  	v0 =	vcvt.f32.s32 v0;
	_ =	sdelay $0x1  }
0x1db: {  	v1 =	vshll.u32 v0, $0x3  }
0x1dc: {  	v1 =	vand.u32 $0xFFFFFC00, v1  }
0x1dd: {  	v0 =	vand.u32 $0x7F, v0;
	v1 =	vadd.s32 s25, v1  }
0x1de: {  	v0 =	vor.u32 v0, v1  }
0x1df: {  	s24 =	simm.s32 $0xDF0;
	[tilespmem:s23+$0x0] =	vst v0  }
0x1e0: {  	s28 =	simm.s32 $0x780;
	s26 =	simm.s32 $0xD;
	s25 =	simm.s32 $0x700;
	v0 =	vld [tilespmem:s24+$0xFFFFFF90]  }
.LBB2_6:
0x1e1: {  	p0 =	sne.s32 s28, $0x980;
	_ =	sdelay $0x3  }
0x1e2: {  	s26 =	sadd.s32 $0x1, s26;
	v0 =	vtrunc.f32 v0  }
0x1e3: {  	s29 =	sshrl.u32 s26, $0x3;
	v0 =	vcvt.f32.s32 v0  }
0x1e4: {  	s29 =	smul.u32 $0xC3800, s29  }
0x1e5: {  	s30 =	sand.u32 $0x380, s25;
	s25 =	smov.u32 s28;
	v1 =	vshll.u32 v0, $0x3  }
0x1e6: {  	s29 =	sor.u32 s30, s29;
	v1 =	vand.u32 $0xFFFFFC00, v1  }
0x1e7: {  	v0 =	vand.u32 $0x7F, v0;
	v1 =	vadd.s32 s29, v1  }
0x1e8: {  	s23 =	sadd.s32 $0x80, s23;
	v0 =	vor.u32 v0, v1  }
0x1e9: {  	[tilespmem:s23+$0xFFFFFF90] =	vst v0  }
0x1ea: {  	v0 =	vld [tilespmem:s24+$0xFFFFFFA0];
	_ =	sdelay $0x4  }
0x1eb: {  	v0 =	vtrunc.f32 v0  }
0x1ec: {  	v0 =	vcvt.f32.s32 v0;
	_ =	sdelay $0x1  }
0x1ed: {  	v1 =	vshll.u32 v0, $0x3  }
0x1ee: {  	v1 =	vand.u32 $0xFFFFFC00, v1  }
0x1ef: {  	v0 =	vand.u32 $0x7F, v0;
	v1 =	vadd.s32 s29, v1  }
0x1f0: {  	v0 =	vor.u32 v0, v1  }
0x1f1: {  	[tilespmem:s23+$0xFFFFFFA0] =	vst v0  }
0x1f2: {  	v0 =	vld [tilespmem:s24+$0xFFFFFFB0];
	_ =	sdelay $0x4  }
0x1f3: {  	v0 =	vtrunc.f32 v0  }
0x1f4: {  	v0 =	vcvt.f32.s32 v0;
	_ =	sdelay $0x1  }
0x1f5: {  	v1 =	vshll.u32 v0, $0x3  }
0x1f6: {  	v1 =	vand.u32 $0xFFFFFC00, v1  }
0x1f7: {  	v0 =	vand.u32 $0x7F, v0;
	v1 =	vadd.s32 s29, v1  }
0x1f8: {  	v0 =	vor.u32 v0, v1  }
0x1f9: {  	[tilespmem:s23+$0xFFFFFFB0] =	vst v0  }
0x1fa: {  	v0 =	vld [tilespmem:s24+$0xFFFFFFC0];
	_ =	sdelay $0x4  }
0x1fb: {  	v0 =	vtrunc.f32 v0  }
0x1fc: {  	v0 =	vcvt.f32.s32 v0;
	_ =	sdelay $0x1  }
0x1fd: {  	v1 =	vshll.u32 v0, $0x3  }
0x1fe: {  	v1 =	vand.u32 $0xFFFFFC00, v1  }
0x1ff: {  	v0 =	vand.u32 $0x7F, v0;
	v1 =	vadd.s32 s29, v1  }
0x200: {  	v0 =	vor.u32 v0, v1  }
0x201: {  	[tilespmem:s23+$0xFFFFFFC0] =	vst v0  }
0x202: {  	v0 =	vld [tilespmem:s24+$0xFFFFFFD0];
	_ =	sdelay $0x4  }
0x203: {  	v0 =	vtrunc.f32 v0  }
0x204: {  	v0 =	vcvt.f32.s32 v0;
	_ =	sdelay $0x1  }
0x205: {  	v1 =	vshll.u32 v0, $0x3  }
0x206: {  	v1 =	vand.u32 $0xFFFFFC00, v1  }
0x207: {  	v0 =	vand.u32 $0x7F, v0;
	v1 =	vadd.s32 s29, v1  }
0x208: {  	v0 =	vor.u32 v0, v1  }
0x209: {  	[tilespmem:s23+$0xFFFFFFD0] =	vst v0  }
0x20a: {  	v0 =	vld [tilespmem:s24+$0xFFFFFFE0];
	_ =	sdelay $0x4  }
0x20b: {  	v0 =	vtrunc.f32 v0  }
0x20c: {  	v0 =	vcvt.f32.s32 v0;
	_ =	sdelay $0x1  }
0x20d: {  	v1 =	vshll.u32 v0, $0x3  }
0x20e: {  	v1 =	vand.u32 $0xFFFFFC00, v1  }
0x20f: {  	v0 =	vand.u32 $0x7F, v0;
	v1 =	vadd.s32 s29, v1  }
0x210: {  	v0 =	vor.u32 v0, v1  }
0x211: {  	[tilespmem:s23+$0xFFFFFFE0] =	vst v0  }
0x212: {  	v0 =	vld [tilespmem:s24+$0xFFFFFFF0];
	_ =	sdelay $0x4  }
0x213: {  	v0 =	vtrunc.f32 v0  }
0x214: {  	v0 =	vcvt.f32.s32 v0;
	_ =	sdelay $0x1  }
0x215: {  	v1 =	vshll.u32 v0, $0x3  }
0x216: {  	v1 =	vand.u32 $0xFFFFFC00, v1  }
0x217: {  	v0 =	vand.u32 $0x7F, v0;
	v1 =	vadd.s32 s29, v1  }
0x218: {  	v0 =	vor.u32 v0, v1  }
0x219: {  	[tilespmem:s23+$0xFFFFFFF0] =	vst v0  }
0x21a: {  	v0 =	vld [tilespmem:s24+$0x0];
	_ =	sdelay $0x4  }
0x21b: {  	v0 =	vtrunc.f32 v0  }
0x21c: {  	v0 =	vcvt.f32.s32 v0;
	_ =	sdelay $0x1  }
0x21d: {  	v1 =	vshll.u32 v0, $0x3  }
.Ltmp2:
0x21e: {  	v1 =	vand.u32 $0xFFFFFC00, v1;
	(pc) =	sbr.rel @p0 .LBB2_6-.Ltmp2, $4  }
0x21f: {  	v0 =	vand.u32 $0x7F, v0;
	v1 =	vadd.s32 s29, v1  }
0x220: {  	v0 =	vor.u32 v0, v1  }
0x221: {  	s24 =	sadd.s32 $0x80, s24;
	[tilespmem:s23+$0x0] =	vst v0  }
0x222: {  	s28 =	sadd.s32 $0x80, s28;
	v0 =	vld [tilespmem:s24+$0xFFFFFF90]  }
0x223: {  	_ =	sdelay $0x3  }
0x224: {  	s26 =	sadd.s32 $0x1, s26;
	v0 =	vtrunc.f32 v0  }
0x225: {  	s26 =	sshrl.u32 s26, $0x3;
	v0 =	vcvt.f32.s32 v0  }
0x226: {  	s26 =	smul.u32 $0xC3800, s26  }
0x227: {  	s25 =	sand.u32 $0x380, s25;
	v1 =	vshll.u32 v0, $0x3  }
0x228: {  	s25 =	sor.u32 s25, s26;
	v1 =	vand.u32 $0xFFFFFC00, v1  }
0x229: {  	v0 =	vand.u32 $0x7F, v0;
	v1 =	vadd.s32 s25, v1  }
0x22a: {  	s23 =	sadd.s32 $0x80, s23;
	v0 =	vor.u32 v0, v1  }
0x22b: {  	[tilespmem:s23+$0xFFFFFF90] =	vst v0  }
0x22c: {  	v0 =	vld [tilespmem:s24+$0xFFFFFFA0];
	_ =	sdelay $0x4  }
0x22d: {  	v0 =	vtrunc.f32 v0  }
0x22e: {  	v0 =	vcvt.f32.s32 v0;
	_ =	sdelay $0x1  }
0x22f: {  	v1 =	vshll.u32 v0, $0x3  }
0x230: {  	v1 =	vand.u32 $0xFFFFFC00, v1  }
0x231: {  	v0 =	vand.u32 $0x7F, v0;
	v1 =	vadd.s32 s25, v1  }
0x232: {  	v0 =	vor.u32 v0, v1  }
0x233: {  	[tilespmem:s23+$0xFFFFFFA0] =	vst v0  }
0x234: {  	v0 =	vld [tilespmem:s24+$0xFFFFFFB0];
	_ =	sdelay $0x4  }
0x235: {  	v0 =	vtrunc.f32 v0  }
0x236: {  	v0 =	vcvt.f32.s32 v0;
	_ =	sdelay $0x1  }
0x237: {  	v1 =	vshll.u32 v0, $0x3  }
0x238: {  	v1 =	vand.u32 $0xFFFFFC00, v1  }
0x239: {  	v0 =	vand.u32 $0x7F, v0;
	v1 =	vadd.s32 s25, v1  }
0x23a: {  	v0 =	vor.u32 v0, v1  }
0x23b: {  	[tilespmem:s23+$0xFFFFFFB0] =	vst v0  }
0x23c: {  	v0 =	vld [tilespmem:s24+$0xFFFFFFC0];
	_ =	sdelay $0x4  }
0x23d: {  	v0 =	vtrunc.f32 v0  }
0x23e: {  	v0 =	vcvt.f32.s32 v0;
	_ =	sdelay $0x1  }
0x23f: {  	v1 =	vshll.u32 v0, $0x3  }
0x240: {  	v1 =	vand.u32 $0xFFFFFC00, v1  }
0x241: {  	v0 =	vand.u32 $0x7F, v0;
	v1 =	vadd.s32 s25, v1  }
0x242: {  	v0 =	vor.u32 v0, v1  }
0x243: {  	[tilespmem:s23+$0xFFFFFFC0] =	vst v0  }
0x244: {  	v0 =	vld [tilespmem:s24+$0xFFFFFFD0];
	_ =	sdelay $0x4  }
0x245: {  	v0 =	vtrunc.f32 v0  }
0x246: {  	v0 =	vcvt.f32.s32 v0;
	_ =	sdelay $0x1  }
0x247: {  	v1 =	vshll.u32 v0, $0x3  }
0x248: {  	v1 =	vand.u32 $0xFFFFFC00, v1  }
0x249: {  	v0 =	vand.u32 $0x7F, v0;
	v1 =	vadd.s32 s25, v1  }
0x24a: {  	v0 =	vor.u32 v0, v1  }
0x24b: {  	[tilespmem:s23+$0xFFFFFFD0] =	vst v0  }
0x24c: {  	v0 =	vld [tilespmem:s24+$0xFFFFFFE0];
	_ =	sdelay $0x4  }
0x24d: {  	v0 =	vtrunc.f32 v0  }
0x24e: {  	v0 =	vcvt.f32.s32 v0;
	_ =	sdelay $0x1  }
0x24f: {  	v1 =	vshll.u32 v0, $0x3  }
0x250: {  	v1 =	vand.u32 $0xFFFFFC00, v1  }
0x251: {  	v0 =	vand.u32 $0x7F, v0;
	v1 =	vadd.s32 s25, v1  }
0x252: {  	v0 =	vor.u32 v0, v1  }
0x253: {  	[tilespmem:s23+$0xFFFFFFE0] =	vst v0  }
0x254: {  	v0 =	vld [tilespmem:s24+$0xFFFFFFF0];
	_ =	sdelay $0x4  }
0x255: {  	v0 =	vtrunc.f32 v0  }
0x256: {  	v0 =	vcvt.f32.s32 v0;
	_ =	sdelay $0x1  }
0x257: {  	v1 =	vshll.u32 v0, $0x3  }
0x258: {  	v1 =	vand.u32 $0xFFFFFC00, v1  }
0x259: {  	v0 =	vand.u32 $0x7F, v0;
	v1 =	vadd.s32 s25, v1  }
0x25a: {  	v0 =	vor.u32 v0, v1  }
0x25b: {  	[tilespmem:s23+$0xFFFFFFF0] =	vst v0  }
0x25c: {  	v0 =	vld [tilespmem:s24+$0x0];
	_ =	sdelay $0x4  }
0x25d: {  	v0 =	vtrunc.f32 v0  }
0x25e: {  	v0 =	vcvt.f32.s32 v0;
	_ =	sdelay $0x1  }
0x25f: {  	v1 =	vshll.u32 v0, $0x3  }
0x260: {  	v1 =	vand.u32 $0xFFFFFC00, v1  }
0x261: {  	v0 =	vand.u32 $0x7F, v0;
	v1 =	vadd.s32 s25, v1  }
0x262: {  	v0 =	vor.u32 v0, v1  }
0x263: {  	s29 =	simm.s32 $0x10F0;
	[tilespmem:s23+$0x0] =	vst v0  }
0x264: {  	[tilespmem:s16], [sflag:$0x1] =	stream.indirect.gather [hbm4b:s3+s12], $0x1, s15, s12, $0xb8;
	[tilespmem:$0x2F00] =	vst v63  }
0x265: {  	v0 =	vld [tilespmem:s29+$0xFFFFFF90];
	_ =	sdelay $0x4  }
0x266: {  	v0 =	vtrunc.f32 v0  }
0x267: {  	s30 =	simm.s32 $0x2;
	v0 =	vcvt.f32.s32 v0  }
0x268: {  	s31 =	simm.s32 $0xA00;
	s23 =	smul.u32 $0xC3800, s30  }
0x269: {  	s25 =	sand.u32 $0x380, s31;
	v1 =	vshll.u32 v0, $0x3  }
0x26a: {  	s25 =	sor.u32 s25, s23;
	v1 =	vand.u32 $0xFFFFFC00, v1  }
0x26b: {  	v0 =	vand.u32 $0x7F, v0;
	v1 =	vadd.s32 s25, v1  }
0x26c: {  	s23 =	simm.s32 $0x1EF0;
	v0 =	vor.u32 v0, v1  }
0x26d: {  	[tilespmem:s23+$0xFFFFFF90] =	vst v0  }
0x26e: {  	v0 =	vld [tilespmem:s29+$0xFFFFFFA0];
	_ =	sdelay $0x4  }
0x26f: {  	v0 =	vtrunc.f32 v0  }
0x270: {  	v0 =	vcvt.f32.s32 v0;
	_ =	sdelay $0x1  }
0x271: {  	v1 =	vshll.u32 v0, $0x3  }
0x272: {  	v1 =	vand.u32 $0xFFFFFC00, v1  }
0x273: {  	v0 =	vand.u32 $0x7F, v0;
	v1 =	vadd.s32 s25, v1  }
0x274: {  	v0 =	vor.u32 v0, v1  }
0x275: {  	[tilespmem:s23+$0xFFFFFFA0] =	vst v0  }
0x276: {  	v0 =	vld [tilespmem:s29+$0xFFFFFFB0];
	_ =	sdelay $0x4  }
0x277: {  	v0 =	vtrunc.f32 v0  }
0x278: {  	v0 =	vcvt.f32.s32 v0;
	_ =	sdelay $0x1  }
0x279: {  	v1 =	vshll.u32 v0, $0x3  }
0x27a: {  	v1 =	vand.u32 $0xFFFFFC00, v1  }
0x27b: {  	v0 =	vand.u32 $0x7F, v0;
	v1 =	vadd.s32 s25, v1  }
0x27c: {  	v0 =	vor.u32 v0, v1  }
0x27d: {  	[tilespmem:s23+$0xFFFFFFB0] =	vst v0  }
0x27e: {  	v0 =	vld [tilespmem:s29+$0xFFFFFFC0];
	_ =	sdelay $0x4  }
0x27f: {  	v0 =	vtrunc.f32 v0  }
0x280: {  	v0 =	vcvt.f32.s32 v0;
	_ =	sdelay $0x1  }
0x281: {  	v1 =	vshll.u32 v0, $0x3  }
0x282: {  	v1 =	vand.u32 $0xFFFFFC00, v1  }
0x283: {  	v0 =	vand.u32 $0x7F, v0;
	v1 =	vadd.s32 s25, v1  }
0x284: {  	v0 =	vor.u32 v0, v1  }
0x285: {  	[tilespmem:s23+$0xFFFFFFC0] =	vst v0  }
0x286: {  	v0 =	vld [tilespmem:s29+$0xFFFFFFD0];
	_ =	sdelay $0x4  }
0x287: {  	v0 =	vtrunc.f32 v0  }
0x288: {  	v0 =	vcvt.f32.s32 v0;
	_ =	sdelay $0x1  }
0x289: {  	v1 =	vshll.u32 v0, $0x3  }
0x28a: {  	v1 =	vand.u32 $0xFFFFFC00, v1  }
0x28b: {  	v0 =	vand.u32 $0x7F, v0;
	v1 =	vadd.s32 s25, v1  }
0x28c: {  	v0 =	vor.u32 v0, v1  }
0x28d: {  	[tilespmem:s23+$0xFFFFFFD0] =	vst v0  }
0x28e: {  	v0 =	vld [tilespmem:s29+$0xFFFFFFE0];
	_ =	sdelay $0x4  }
0x28f: {  	v0 =	vtrunc.f32 v0  }
0x290: {  	v0 =	vcvt.f32.s32 v0;
	_ =	sdelay $0x1  }
0x291: {  	v1 =	vshll.u32 v0, $0x3  }
0x292: {  	v1 =	vand.u32 $0xFFFFFC00, v1  }
0x293: {  	v0 =	vand.u32 $0x7F, v0;
	v1 =	vadd.s32 s25, v1  }
0x294: {  	v0 =	vor.u32 v0, v1  }
0x295: {  	[tilespmem:s23+$0xFFFFFFE0] =	vst v0  }
0x296: {  	v0 =	vld [tilespmem:s29+$0xFFFFFFF0];
	_ =	sdelay $0x4  }
0x297: {  	v0 =	vtrunc.f32 v0  }
0x298: {  	v0 =	vcvt.f32.s32 v0;
	_ =	sdelay $0x1  }
0x299: {  	v1 =	vshll.u32 v0, $0x3  }
0x29a: {  	v1 =	vand.u32 $0xFFFFFC00, v1  }
0x29b: {  	v0 =	vand.u32 $0x7F, v0;
	v1 =	vadd.s32 s25, v1  }
0x29c: {  	v0 =	vor.u32 v0, v1  }
0x29d: {  	[tilespmem:s23+$0xFFFFFFF0] =	vst v0  }
0x29e: {  	v0 =	vld [tilespmem:s29+$0x0];
	_ =	sdelay $0x4  }
0x29f: {  	v0 =	vtrunc.f32 v0  }
0x2a0: {  	v0 =	vcvt.f32.s32 v0;
	_ =	sdelay $0x1  }
0x2a1: {  	v1 =	vshll.u32 v0, $0x3  }
0x2a2: {  	v1 =	vand.u32 $0xFFFFFC00, v1  }
0x2a3: {  	v0 =	vand.u32 $0x7F, v0;
	v1 =	vadd.s32 s25, v1  }
0x2a4: {  	v0 =	vor.u32 v0, v1  }
0x2a5: {  	s24 =	simm.s32 $0x1170;
	[tilespmem:s23+$0x0] =	vst v0  }
0x2a6: {  	s28 =	simm.s32 $0xB00;
	s26 =	simm.s32 $0x14;
	s25 =	simm.s32 $0xA80;
	v0 =	vld [tilespmem:s24+$0xFFFFFF90]  }
.LBB2_8:
0x2a7: {  	p0 =	sne.s32 s28, $0xC80;
	_ =	sdelay $0x3  }
0x2a8: {  	s26 =	sadd.s32 $0x1, s26;
	v0 =	vtrunc.f32 v0  }
0x2a9: {  	s29 =	sshrl.u32 s26, $0x3;
	v0 =	vcvt.f32.s32 v0  }
0x2aa: {  	s29 =	smul.u32 $0xC3800, s29  }
0x2ab: {  	s30 =	sand.u32 $0x380, s25;
	s25 =	smov.u32 s28;
	v1 =	vshll.u32 v0, $0x3  }
0x2ac: {  	s29 =	sor.u32 s30, s29;
	v1 =	vand.u32 $0xFFFFFC00, v1  }
0x2ad: {  	v0 =	vand.u32 $0x7F, v0;
	v1 =	vadd.s32 s29, v1  }
0x2ae: {  	s23 =	sadd.s32 $0x80, s23;
	v0 =	vor.u32 v0, v1  }
0x2af: {  	[tilespmem:s23+$0xFFFFFF90] =	vst v0  }
0x2b0: {  	v0 =	vld [tilespmem:s24+$0xFFFFFFA0];
	_ =	sdelay $0x4  }
0x2b1: {  	v0 =	vtrunc.f32 v0  }
0x2b2: {  	v0 =	vcvt.f32.s32 v0;
	_ =	sdelay $0x1  }
0x2b3: {  	v1 =	vshll.u32 v0, $0x3  }
0x2b4: {  	v1 =	vand.u32 $0xFFFFFC00, v1  }
0x2b5: {  	v0 =	vand.u32 $0x7F, v0;
	v1 =	vadd.s32 s29, v1  }
0x2b6: {  	v0 =	vor.u32 v0, v1  }
0x2b7: {  	[tilespmem:s23+$0xFFFFFFA0] =	vst v0  }
0x2b8: {  	v0 =	vld [tilespmem:s24+$0xFFFFFFB0];
	_ =	sdelay $0x4  }
0x2b9: {  	v0 =	vtrunc.f32 v0  }
0x2ba: {  	v0 =	vcvt.f32.s32 v0;
	_ =	sdelay $0x1  }
0x2bb: {  	v1 =	vshll.u32 v0, $0x3  }
0x2bc: {  	v1 =	vand.u32 $0xFFFFFC00, v1  }
0x2bd: {  	v0 =	vand.u32 $0x7F, v0;
	v1 =	vadd.s32 s29, v1  }
0x2be: {  	v0 =	vor.u32 v0, v1  }
0x2bf: {  	[tilespmem:s23+$0xFFFFFFB0] =	vst v0  }
0x2c0: {  	v0 =	vld [tilespmem:s24+$0xFFFFFFC0];
	_ =	sdelay $0x4  }
0x2c1: {  	v0 =	vtrunc.f32 v0  }
0x2c2: {  	v0 =	vcvt.f32.s32 v0;
	_ =	sdelay $0x1  }
0x2c3: {  	v1 =	vshll.u32 v0, $0x3  }
0x2c4: {  	v1 =	vand.u32 $0xFFFFFC00, v1  }
0x2c5: {  	v0 =	vand.u32 $0x7F, v0;
	v1 =	vadd.s32 s29, v1  }
0x2c6: {  	v0 =	vor.u32 v0, v1  }
0x2c7: {  	[tilespmem:s23+$0xFFFFFFC0] =	vst v0  }
0x2c8: {  	v0 =	vld [tilespmem:s24+$0xFFFFFFD0];
	_ =	sdelay $0x4  }
0x2c9: {  	v0 =	vtrunc.f32 v0  }
0x2ca: {  	v0 =	vcvt.f32.s32 v0;
	_ =	sdelay $0x1  }
0x2cb: {  	v1 =	vshll.u32 v0, $0x3  }
0x2cc: {  	v1 =	vand.u32 $0xFFFFFC00, v1  }
0x2cd: {  	v0 =	vand.u32 $0x7F, v0;
	v1 =	vadd.s32 s29, v1  }
0x2ce: {  	v0 =	vor.u32 v0, v1  }
0x2cf: {  	[tilespmem:s23+$0xFFFFFFD0] =	vst v0  }
0x2d0: {  	v0 =	vld [tilespmem:s24+$0xFFFFFFE0];
	_ =	sdelay $0x4  }
0x2d1: {  	v0 =	vtrunc.f32 v0  }
0x2d2: {  	v0 =	vcvt.f32.s32 v0;
	_ =	sdelay $0x1  }
0x2d3: {  	v1 =	vshll.u32 v0, $0x3  }
0x2d4: {  	v1 =	vand.u32 $0xFFFFFC00, v1  }
0x2d5: {  	v0 =	vand.u32 $0x7F, v0;
	v1 =	vadd.s32 s29, v1  }
0x2d6: {  	v0 =	vor.u32 v0, v1  }
0x2d7: {  	[tilespmem:s23+$0xFFFFFFE0] =	vst v0  }
0x2d8: {  	v0 =	vld [tilespmem:s24+$0xFFFFFFF0];
	_ =	sdelay $0x4  }
0x2d9: {  	v0 =	vtrunc.f32 v0  }
0x2da: {  	v0 =	vcvt.f32.s32 v0;
	_ =	sdelay $0x1  }
0x2db: {  	v1 =	vshll.u32 v0, $0x3  }
0x2dc: {  	v1 =	vand.u32 $0xFFFFFC00, v1  }
0x2dd: {  	v0 =	vand.u32 $0x7F, v0;
	v1 =	vadd.s32 s29, v1  }
0x2de: {  	v0 =	vor.u32 v0, v1  }
0x2df: {  	[tilespmem:s23+$0xFFFFFFF0] =	vst v0  }
0x2e0: {  	v0 =	vld [tilespmem:s24+$0x0];
	_ =	sdelay $0x4  }
0x2e1: {  	v0 =	vtrunc.f32 v0  }
0x2e2: {  	v0 =	vcvt.f32.s32 v0;
	_ =	sdelay $0x1  }
0x2e3: {  	v1 =	vshll.u32 v0, $0x3  }
.Ltmp3:
0x2e4: {  	v1 =	vand.u32 $0xFFFFFC00, v1;
	(pc) =	sbr.rel @p0 .LBB2_8-.Ltmp3, $4  }
0x2e5: {  	v0 =	vand.u32 $0x7F, v0;
	v1 =	vadd.s32 s29, v1  }
0x2e6: {  	v0 =	vor.u32 v0, v1  }
0x2e7: {  	s24 =	sadd.s32 $0x80, s24;
	[tilespmem:s23+$0x0] =	vst v0  }
0x2e8: {  	s28 =	sadd.s32 $0x80, s28;
	v0 =	vld [tilespmem:s24+$0xFFFFFF90]  }
0x2e9: {  	_ =	sdelay $0x3  }
0x2ea: {  	s26 =	sadd.s32 $0x1, s26;
	v0 =	vtrunc.f32 v0  }
0x2eb: {  	s26 =	sshrl.u32 s26, $0x3;
	v0 =	vcvt.f32.s32 v0  }
0x2ec: {  	s26 =	smul.u32 $0xC3800, s26  }
0x2ed: {  	s25 =	sand.u32 $0x380, s25;
	v1 =	vshll.u32 v0, $0x3  }
0x2ee: {  	s25 =	sor.u32 s25, s26;
	v1 =	vand.u32 $0xFFFFFC00, v1  }
0x2ef: {  	v0 =	vand.u32 $0x7F, v0;
	v1 =	vadd.s32 s25, v1  }
0x2f0: {  	s23 =	sadd.s32 $0x80, s23;
	v0 =	vor.u32 v0, v1  }
0x2f1: {  	[tilespmem:s23+$0xFFFFFF90] =	vst v0  }
0x2f2: {  	v0 =	vld [tilespmem:s24+$0xFFFFFFA0];
	_ =	sdelay $0x4  }
0x2f3: {  	v0 =	vtrunc.f32 v0  }
0x2f4: {  	v0 =	vcvt.f32.s32 v0;
	_ =	sdelay $0x1  }
0x2f5: {  	v1 =	vshll.u32 v0, $0x3  }
0x2f6: {  	v1 =	vand.u32 $0xFFFFFC00, v1  }
0x2f7: {  	v0 =	vand.u32 $0x7F, v0;
	v1 =	vadd.s32 s25, v1  }
0x2f8: {  	v0 =	vor.u32 v0, v1  }
0x2f9: {  	[tilespmem:s23+$0xFFFFFFA0] =	vst v0  }
0x2fa: {  	v0 =	vld [tilespmem:s24+$0xFFFFFFB0];
	_ =	sdelay $0x4  }
0x2fb: {  	v0 =	vtrunc.f32 v0  }
0x2fc: {  	v0 =	vcvt.f32.s32 v0;
	_ =	sdelay $0x1  }
0x2fd: {  	v1 =	vshll.u32 v0, $0x3  }
0x2fe: {  	v1 =	vand.u32 $0xFFFFFC00, v1  }
0x2ff: {  	v0 =	vand.u32 $0x7F, v0;
	v1 =	vadd.s32 s25, v1  }
0x300: {  	v0 =	vor.u32 v0, v1  }
0x301: {  	[tilespmem:s23+$0xFFFFFFB0] =	vst v0  }
0x302: {  	v0 =	vld [tilespmem:s24+$0xFFFFFFC0];
	_ =	sdelay $0x4  }
0x303: {  	v0 =	vtrunc.f32 v0  }
0x304: {  	v0 =	vcvt.f32.s32 v0;
	_ =	sdelay $0x1  }
0x305: {  	v1 =	vshll.u32 v0, $0x3  }
0x306: {  	v1 =	vand.u32 $0xFFFFFC00, v1  }
0x307: {  	v0 =	vand.u32 $0x7F, v0;
	v1 =	vadd.s32 s25, v1  }
0x308: {  	v0 =	vor.u32 v0, v1  }
0x309: {  	[tilespmem:s23+$0xFFFFFFC0] =	vst v0  }
0x30a: {  	v0 =	vld [tilespmem:s24+$0xFFFFFFD0];
	_ =	sdelay $0x4  }
0x30b: {  	v0 =	vtrunc.f32 v0  }
0x30c: {  	v0 =	vcvt.f32.s32 v0;
	_ =	sdelay $0x1  }
0x30d: {  	v1 =	vshll.u32 v0, $0x3  }
0x30e: {  	v1 =	vand.u32 $0xFFFFFC00, v1  }
0x30f: {  	v0 =	vand.u32 $0x7F, v0;
	v1 =	vadd.s32 s25, v1  }
0x310: {  	v0 =	vor.u32 v0, v1  }
0x311: {  	[tilespmem:s23+$0xFFFFFFD0] =	vst v0  }
0x312: {  	v0 =	vld [tilespmem:s24+$0xFFFFFFE0];
	_ =	sdelay $0x4  }
0x313: {  	v0 =	vtrunc.f32 v0  }
0x314: {  	v0 =	vcvt.f32.s32 v0;
	_ =	sdelay $0x1  }
0x315: {  	v1 =	vshll.u32 v0, $0x3  }
0x316: {  	v1 =	vand.u32 $0xFFFFFC00, v1  }
0x317: {  	v0 =	vand.u32 $0x7F, v0;
	v1 =	vadd.s32 s25, v1  }
0x318: {  	v0 =	vor.u32 v0, v1  }
0x319: {  	[tilespmem:s23+$0xFFFFFFE0] =	vst v0  }
0x31a: {  	v0 =	vld [tilespmem:s24+$0xFFFFFFF0];
	_ =	sdelay $0x4  }
0x31b: {  	v0 =	vtrunc.f32 v0  }
0x31c: {  	v0 =	vcvt.f32.s32 v0;
	_ =	sdelay $0x1  }
0x31d: {  	v1 =	vshll.u32 v0, $0x3  }
0x31e: {  	v1 =	vand.u32 $0xFFFFFC00, v1  }
0x31f: {  	v0 =	vand.u32 $0x7F, v0;
	v1 =	vadd.s32 s25, v1  }
0x320: {  	v0 =	vor.u32 v0, v1  }
0x321: {  	[tilespmem:s23+$0xFFFFFFF0] =	vst v0  }
0x322: {  	v0 =	vld [tilespmem:s24+$0x0];
	_ =	sdelay $0x4  }
0x323: {  	v0 =	vtrunc.f32 v0  }
0x324: {  	v0 =	vcvt.f32.s32 v0;
	_ =	sdelay $0x1  }
0x325: {  	v1 =	vshll.u32 v0, $0x3  }
0x326: {  	v1 =	vand.u32 $0xFFFFFC00, v1  }
0x327: {  	v0 =	vand.u32 $0x7F, v0;
	v1 =	vadd.s32 s25, v1  }
0x328: {  	v0 =	vor.u32 v0, v1  }
0x329: {  	[tilespmem:s23+$0x0] =	vst v0  }
0x32a: {  	[tilespmem:s19], [sflag:$0x1] =	stream.indirect.gather [hbm4b:s3+s17], $0x1, s18, s17, $0xb8;
	[tilespmem:$0x2F00] =	vst v63  }
0x32b: {  	s24 =	simm.s32 $0x0;
	v12 =	vld [tilespmem:$0x1400]  }
0x32c: {  	v0 =	vld [tilespmem:s24+$0x0]  }
0x32d: {  	v1 =	vld [tilespmem:s24+$0x80];
	_ =	sdelay $0x1  }
0x32e: {  	v2 =	vld [tilespmem:s24+$0x100]  }
0x32f: {  	v8 =	vbroadcast v12, $0x0;
	v9 =	vbroadcast v12, $0x1  }
0x330: {  	v3 =	vld [tilespmem:s24+$0x180];
	v6 =	vbroadcast v12, $0x2  }
0x331: {  	v0 =	vmul.f32 v0, v8;
	v1 =	vmul.f32 v1, v9  }
0x332: {  	v5 =	vld [tilespmem:s24+$0x200]  }
0x333: {  	v4 =	vbroadcast v12, $0x3;
	v2 =	vmul.f32 v2, v6;
	v0 =	vadd.f32 v1, v0  }
0x334: {  	v7 =	vld [tilespmem:s24+$0x280]  }
0x335: {  	v3 =	vmul.f32 v3, v4;
	v1 =	vbroadcast v12, $0x4;
	v2 =	vadd.f32 v2, v0  }
0x336: {  	v10 =	vld [tilespmem:s24+$0x300]  }
0x337: {  	s23 =	simm.s32 $0x10;
	v11 =	vld [tilespmem:s24+$0x380];
	v0 =	vbroadcast v12, $0x5;
	v5 =	vmul.f32 v5, v1;
	v3 =	vadd.f32 v3, v2  }
0x338: {  	v13 =	vld [tilespmem:s23+$0x0]  }
0x339: {  	v14 =	vld [tilespmem:s23+$0x80];
	v2 =	vbroadcast v12, $0x6;
	v7 =	vmul.f32 v7, v0;
	v5 =	vadd.f32 v5, v3  }
0x33a: {  	v15 =	vld [tilespmem:s24+$0x400]  }
0x33b: {  	v16 =	vld [tilespmem:s23+$0x100];
	v3 =	vbroadcast v12, $0x7;
	v10 =	vmul.f32 v10, v2;
	v7 =	vadd.f32 v7, v5  }
0x33c: {  	v17 =	vld [tilespmem:s24+$0x480]  }
0x33d: {  	v18 =	vld [tilespmem:s23+$0x180];
	v5 =	vbroadcast v12, $0x8;
	v11 =	vmul.f32 v11, v3;
	v10 =	vadd.f32 v10, v7  }
0x33e: {  	v19 =	vld [tilespmem:s24+$0x500];
	v13 =	vmul.f32 v13, v8;
	v14 =	vmul.f32 v14, v9  }
0x33f: {  	v20 =	vld [tilespmem:s23+$0x200];
	v7 =	vbroadcast v12, $0x9;
	v15 =	vmul.f32 v15, v5;
	v11 =	vadd.f32 v11, v10  }
0x340: {  	v21 =	vld [tilespmem:s24+$0x580];
	v16 =	vmul.f32 v16, v6;
	v14 =	vadd.f32 v14, v13  }
0x341: {  	v13 =	vld [tilespmem:s23+$0x280];
	v10 =	vbroadcast v12, $0xA;
	v22 =	vmul.f32 v17, v7;
	v15 =	vadd.f32 v15, v11  }
0x342: {  	v18 =	vmul.f32 v18, v4;
	v16 =	vadd.f32 v16, v14;
	v17 =	vld [tilespmem:s24+$0x600]  }
0x343: {  	s25 =	simm.s32 $0x20;
	v14 =	vld [tilespmem:s23+$0x300];
	v11 =	vbroadcast v12, $0xB;
	v23 =	vmul.f32 v19, v10;
	v22 =	vadd.f32 v22, v15  }
0x344: {  	v18 =	vadd.f32 v18, v16;
	v16 =	vld [tilespmem:s25+$0x0];
	v19 =	vmul.f32 v20, v1  }
0x345: {  	s26 =	simm.s32 $0xC0;
	v12 =	vbroadcast v12, $0xC;
	v15 =	vld [tilespmem:s23+$0x380];
	v21 =	vmul.f32 v21, v11;
	v20 =	vadd.f32 v23, v22  }
.LBB2_10:
0x346: {  	p0 =	sne.s32 s26, $0x1C0;
	v22 =	vld [tilespmem:s25+$0x80];
	v18 =	vadd.f32 v19, v18;
	v13 =	vmul.f32 v13, v0  }
0x347: {  	v19 =	vld [tilespmem:s23+$0x400];
	v20 =	vadd.f32 v21, v20;
	v17 =	vmul.f32 v17, v12  }
0x348: {  	v21 =	vld [tilespmem:s25+$0x100];
	v13 =	vadd.f32 v13, v18;
	v14 =	vmul.f32 v14, v2  }
0x349: {  	v18 =	vld [tilespmem:s23+$0x480];
	v17 =	vadd.f32 v17, v20  }
0x34a: {  	v20 =	vld [tilespmem:s25+$0x180];
	v13 =	vadd.f32 v14, v13;
	v14 =	vmul.f32 v15, v3  }
0x34b: {  	v15 =	vmul.f32 v16, v8;
	v16 =	vmul.f32 v22, v9;
	v22 =	vld [tilespmem:s23+$0x500];
	[tilespmem:s24+$0x2E80] =	vst v17;
	s24 =	smov.u32 s23;
	s23 =	smov.u32 s25  }
0x34c: {  	v23 =	vld [tilespmem:s23+$0x200];
	v14 =	vadd.f32 v14, v13;
	v17 =	vmul.f32 v19, v5  }
0x34d: {  	v15 =	vadd.f32 v16, v15;
	v16 =	vmul.f32 v21, v6;
	v21 =	vld [tilespmem:s24+$0x580]  }
.Ltmp4:
0x34e: {  	v13 =	vld [tilespmem:s23+$0x280];
	v19 =	vadd.f32 v17, v14;
	v18 =	vmul.f32 v18, v7;
	(pc) =	sbr.rel @p0 .LBB2_10-.Ltmp4, $4  }
0x34f: {  	v15 =	vadd.f32 v16, v15;
	v16 =	vmul.f32 v20, v4;
	v17 =	vld [tilespmem:s24+$0x600]  }
0x350: {  	v14 =	vld [tilespmem:s23+$0x300];
	v20 =	vadd.f32 v18, v19;
	v22 =	vmul.f32 v22, v10  }
0x351: {  	s25 =	sshra.s32 s26, $0x2;
	v18 =	vadd.f32 v16, v15;
	v19 =	vmul.f32 v23, v1;
	v15 =	vld [tilespmem:s23+$0x380]  }
0x352: {  	s26 =	sadd.s32 $0x40, s26;
	v16 =	vld [tilespmem:s25+$0x0];
	v20 =	vadd.f32 v22, v20;
	v21 =	vmul.f32 v21, v11  }
0x353: {  	v22 =	vld [tilespmem:s25+$0x80];
	v18 =	vadd.f32 v19, v18  }
0x354: {  	v13 =	vmul.f32 v13, v0;
	v48 =	vld [tilespmem:s23+$0x400];
	v20 =	vadd.f32 v21, v20;
	v17 =	vmul.f32 v17, v12  }
0x355: {  	v49 =	vld [tilespmem:s25+$0x100]  }
0x356: {  	v50 =	vld [tilespmem:s23+$0x480];
	v13 =	vadd.f32 v13, v18;
	v14 =	vmul.f32 v14, v2;
	v17 =	vadd.f32 v17, v20  }
0x357: {  	v51 =	vld [tilespmem:s25+$0x180];
	v52 =	vmul.f32 v15, v3  }
0x358: {  	v53 =	vld [tilespmem:s23+$0x500];
	v13 =	vadd.f32 v14, v13;
	v8 =	vmul.f32 v16, v8;
	v9 =	vmul.f32 v22, v9;
	[tilespmem:s24+$0x2E80] =	vst v17  }
0x359: {  	v55 =	vmul.f32 v48, v5;
	v54 =	vld [tilespmem:s25+$0x200]  }
0x35a: {  	v6 =	vmul.f32 v49, v6;
	v13 =	vadd.f32 v52, v13;
	v56 =	vld [tilespmem:s23+$0x580];
	v8 =	vadd.f32 v9, v8  }
0x35b: {  	v57 =	vmul.f32 v50, v7;
	v17 =	vld [tilespmem:s25+$0x280]  }
0x35c: {  	v4 =	vmul.f32 v51, v4;
	v58 =	vld [tilespmem:s23+$0x600];
	v13 =	vadd.f32 v55, v13;
	v6 =	vadd.f32 v6, v8  }
0x35d: {  	v60 =	vmul.f32 v53, v10;
	v59 =	vld [tilespmem:s25+$0x300]  }
0x35e: {  	v13 =	vadd.f32 v57, v13;
	v4 =	vadd.f32 v4, v6;
	v1 =	vmul.f32 v54, v1  }
0x35f: {  	v61 =	vld [tilespmem:s25+$0x380];
	v9 =	vmul.f32 v56, v11  }
0x360: {  	v0 =	vmul.f32 v17, v0;
	v13 =	vadd.f32 v60, v13;
	v1 =	vadd.f32 v1, v4  }
0x361: {  	v62 =	vld [tilespmem:s25+$0x400];
	v8 =	vmul.f32 v58, v12  }
0x362: {  	v9 =	vadd.f32 v9, v13;
	v0 =	vadd.f32 v0, v1;
	v1 =	vmul.f32 v59, v2  }
0x363: {  	v2 =	vld [tilespmem:s25+$0x480]  }
0x364: {  	v8 =	vadd.f32 v8, v9;
	v0 =	vadd.f32 v1, v0;
	v1 =	vmul.f32 v61, v3  }
0x365: {  	v3 =	vld [tilespmem:s25+$0x500]  }
0x366: {  	[tilespmem:s23+$0x2E80] =	vst v8;
	v0 =	vadd.f32 v1, v0;
	v1 =	vmul.f32 v62, v5  }
0x367: {  	v63 =	vld [tilespmem:s25+$0x580]  }
0x368: {  	v0 =	vadd.f32 v1, v0;
	v1 =	vmul.f32 v2, v7  }
0x369: {  	v2 =	vld [tilespmem:s25+$0x600]  }
0x36a: {  	v0 =	vadd.f32 v1, v0;
	v1 =	vmul.f32 v3, v10;
	_ =	sdelay $0x1  }
0x36b: {  	v0 =	vadd.f32 v1, v0;
	v1 =	vmul.f32 v63, v11;
	_ =	sdelay $0x1  }
0x36c: {  	v0 =	vadd.f32 v1, v0;
	v1 =	vmul.f32 v2, v12;
	_ =	sdelay $0x1  }
0x36d: {  	v0 =	vadd.f32 v1, v0;
	_ =	sdelay $0x1  }
0x36e: {  	[tilespmem:s25+$0x2E80] =	vst v0  }
0x36f: {  	_ =	swait.ge [sflag:s20], $0x300  }
0x370: {  	[sflag:s20] =	ssyncset.done $0x0  }
0x371: {  	[sflag:s20] =	ssyncadd.s32 $0xFFFFFD00  }
0x372: {  	_ =	swait.ge [sflag:s20], $0x380  }
0x373: {  	[sflag:s20] =	ssyncset.done $0x0  }
0x374: {  	[sflag:s20] =	ssyncadd.s32 $0xFFFFFC80  }
0x375: {  	_ =	swait.ge [sflag:s20], $0x380  }
0x376: {  	[sflag:s20] =	ssyncset.done $0x0  }
0x377: {  	[sflag:s20] =	ssyncadd.s32 $0xFFFFFC80  }
0x378: {  	_ =	swait.ge [sflag:s20], $0x300  }
0x379: {  	[sflag:s20] =	ssyncset.done $0x0  }
0x37a: {  	s23 =	simm.s32 $0x0;
	[sflag:s20] =	ssyncadd.s32 $0xFFFFFD00  }
0x37b: {  	s24 =	simm.s32 $0x40;
	v0 =	vld [tilespmem:s23+$0x2180]  }
.LBB2_12:
0x37c: {  	p0 =	sne.s32 s24, $0x1C0;
	v1 =	vld [tilespmem:s23+$0x2E80];
	_ =	sdelay $0x1  }
0x37d: {  	v2 =	vld [tilespmem:s23+$0x2200];
	_ =	sdelay $0x1  }
0x37e: {  	v3 =	vld [tilespmem:s23+$0x2280]  }
0x37f: {  	v0 =	vadd.f32 v0, v1  }
0x380: {  	v1 =	vld [tilespmem:s23+$0x2300]  }
0x381: {  	v0 =	vadd.f32 v2, v0  }
0x382: {  	v2 =	vld [tilespmem:s23+$0x2380]  }
0x383: {  	v0 =	vadd.f32 v3, v0  }
0x384: {  	v3 =	vld [tilespmem:s23+$0x2400]  }
0x385: {  	v0 =	vadd.f32 v1, v0  }
0x386: {  	v1 =	vld [tilespmem:s23+$0x2480]  }
0x387: {  	v0 =	vadd.f32 v2, v0  }
0x388: {  	v2 =	vld [tilespmem:s23+$0x2500]  }
0x389: {  	v0 =	vadd.f32 v3, v0  }
0x38a: {  	v3 =	vld [tilespmem:s23+$0x2580]  }
0x38b: {  	v0 =	vadd.f32 v1, v0  }
0x38c: {  	v1 =	vld [tilespmem:s23+$0x2600]  }
0x38d: {  	v0 =	vadd.f32 v2, v0  }
0x38e: {  	v2 =	vld [tilespmem:s23+$0x2680]  }
0x38f: {  	v0 =	vadd.f32 v3, v0  }
0x390: {  	v3 =	vld [tilespmem:s23+$0x2700]  }
0x391: {  	v0 =	vadd.f32 v1, v0  }
0x392: {  	v1 =	vld [tilespmem:s23+$0x2780]  }
0x393: {  	v0 =	vadd.f32 v2, v0  }
0x394: {  	v2 =	vld [tilespmem:s23+$0x2800]  }
0x395: {  	v0 =	vadd.f32 v3, v0  }
0x396: {  	v3 =	vld [tilespmem:s23+$0x2880]  }
0x397: {  	v0 =	vadd.f32 v1, v0  }
0x398: {  	v1 =	vld [tilespmem:s23+$0x2900]  }
0x399: {  	v0 =	vadd.f32 v2, v0  }
0x39a: {  	v2 =	vld [tilespmem:s23+$0x2980]  }
0x39b: {  	v0 =	vadd.f32 v3, v0  }
0x39c: {  	v3 =	vld [tilespmem:s23+$0x2A00]  }
0x39d: {  	v0 =	vadd.f32 v1, v0  }
0x39e: {  	v1 =	vld [tilespmem:s23+$0x2A80]  }
0x39f: {  	v0 =	vadd.f32 v2, v0  }
0x3a0: {  	v2 =	vld [tilespmem:s23+$0x2B00]  }
0x3a1: {  	v0 =	vadd.f32 v3, v0  }
0x3a2: {  	v3 =	vld [tilespmem:s23+$0x2B80]  }
0x3a3: {  	v0 =	vadd.f32 v1, v0  }
0x3a4: {  	v1 =	vld [tilespmem:s23+$0x2C00]  }
0x3a5: {  	v0 =	vadd.f32 v2, v0  }
0x3a6: {  	v2 =	vld [tilespmem:s23+$0x2C80]  }
0x3a7: {  	v0 =	vadd.f32 v3, v0  }
0x3a8: {  	v3 =	vld [tilespmem:s23+$0x2D00]  }
0x3a9: {  	v0 =	vadd.f32 v1, v0  }
0x3aa: {  	v1 =	vld [tilespmem:s23+$0x2D80]  }
0x3ab: {  	v0 =	vadd.f32 v2, v0  }
0x3ac: {  	v2 =	vld [tilespmem:s23+$0x2E00]  }
0x3ad: {  	v0 =	vadd.f32 v3, v0;
	_ =	sdelay $0x1  }
.Ltmp5:
0x3ae: {  	v0 =	vadd.f32 v1, v0;
	(pc) =	sbr.rel @p0 .LBB2_12-.Ltmp5, $4  }
0x3af: {  	_ = 	snop  }
0x3b0: {  	v1 =	vadd.f32 v2, v0  }
0x3b1: {  	s25 =	sshra.s32 s24, $0x2  }
0x3b2: {  	s24 =	sadd.s32 $0x40, s24;
	v0 =	vld [tilespmem:s25+$0x2180];
	[tilespmem:s23+$0x2E80] =	vst v1;
	s23 =	smov.u32 s25  }
0x3b3: {  	v1 =	vld [tilespmem:s23+$0x2E80];
	_ =	sdelay $0x1  }
0x3b4: {  	v2 =	vld [tilespmem:s23+$0x2200];
	_ =	sdelay $0x1  }
0x3b5: {  	v3 =	vld [tilespmem:s23+$0x2280]  }
0x3b6: {  	v0 =	vadd.f32 v0, v1  }
0x3b7: {  	v41 =	vld [tilespmem:s23+$0x2300]  }
0x3b8: {  	v0 =	vadd.f32 v2, v0  }
0x3b9: {  	v42 =	vld [tilespmem:s23+$0x2380]  }
0x3ba: {  	v0 =	vadd.f32 v3, v0  }
0x3bb: {  	v43 =	vld [tilespmem:s23+$0x2400]  }
0x3bc: {  	v0 =	vadd.f32 v41, v0  }
0x3bd: {  	v44 =	vld [tilespmem:s23+$0x2480]  }
0x3be: {  	v0 =	vadd.f32 v42, v0  }
0x3bf: {  	v45 =	vld [tilespmem:s23+$0x2500]  }
0x3c0: {  	v0 =	vadd.f32 v43, v0  }
0x3c1: {  	v46 =	vld [tilespmem:s23+$0x2580]  }
0x3c2: {  	v0 =	vadd.f32 v44, v0  }
0x3c3: {  	v47 =	vld [tilespmem:s23+$0x2600]  }
0x3c4: {  	v0 =	vadd.f32 v45, v0  }
0x3c5: {  	v48 =	vld [tilespmem:s23+$0x2680]  }
0x3c6: {  	v0 =	vadd.f32 v46, v0  }
0x3c7: {  	v49 =	vld [tilespmem:s23+$0x2700]  }
0x3c8: {  	v0 =	vadd.f32 v47, v0  }
0x3c9: {  	v50 =	vld [tilespmem:s23+$0x2780]  }
0x3ca: {  	v0 =	vadd.f32 v48, v0  }
0x3cb: {  	v51 =	vld [tilespmem:s23+$0x2800]  }
0x3cc: {  	v0 =	vadd.f32 v49, v0  }
0x3cd: {  	v52 =	vld [tilespmem:s23+$0x2880]  }
0x3ce: {  	v0 =	vadd.f32 v50, v0  }
0x3cf: {  	v53 =	vld [tilespmem:s23+$0x2900]  }
0x3d0: {  	v0 =	vadd.f32 v51, v0  }
0x3d1: {  	v54 =	vld [tilespmem:s23+$0x2980]  }
0x3d2: {  	v0 =	vadd.f32 v52, v0  }
0x3d3: {  	v55 =	vld [tilespmem:s23+$0x2A00]  }
0x3d4: {  	v0 =	vadd.f32 v53, v0  }
0x3d5: {  	v56 =	vld [tilespmem:s23+$0x2A80]  }
0x3d6: {  	v0 =	vadd.f32 v54, v0  }
0x3d7: {  	v57 =	vld [tilespmem:s23+$0x2B00]  }
0x3d8: {  	v0 =	vadd.f32 v55, v0  }
0x3d9: {  	v58 =	vld [tilespmem:s23+$0x2B80]  }
0x3da: {  	v0 =	vadd.f32 v56, v0  }
0x3db: {  	v59 =	vld [tilespmem:s23+$0x2C00]  }
0x3dc: {  	v0 =	vadd.f32 v57, v0  }
0x3dd: {  	v60 =	vld [tilespmem:s23+$0x2C80]  }
0x3de: {  	v0 =	vadd.f32 v58, v0  }
0x3df: {  	v61 =	vld [tilespmem:s23+$0x2D00]  }
0x3e0: {  	v0 =	vadd.f32 v59, v0  }
0x3e1: {  	v62 =	vld [tilespmem:s23+$0x2D80]  }
0x3e2: {  	v0 =	vadd.f32 v60, v0  }
0x3e3: {  	v63 =	vld [tilespmem:s23+$0x2E00]  }
0x3e4: {  	v0 =	vadd.f32 v61, v0;
	_ =	sdelay $0x1  }
0x3e5: {  	v0 =	vadd.f32 v62, v0;
	_ =	sdelay $0x1  }
0x3e6: {  	s22 =	sadd.s32 $0x1, s22;
	v0 =	vadd.f32 v63, v0  }
0x3e7: {  	p0 =	sne.s32 s22, s7  }
.Ltmp6:
0x3e8: {  	[tilespmem:s23+$0x2E80] =	vst v0;
	(pc) =	sbr.rel @p0 .LBB2_1-.Ltmp6, $4  }
0x3e9: {  	[hbm4b:s6+s2] =	stream.linear.scatter [tilespmem:s21], [sflag:$0x2], $0x80, $0x38;
	[tilespmem:$0x2F00] =	vst v63  }
0x3ea: {  	_ =	swait.ge [sflag:s8], $0x80  }
0x3eb: {  	[sflag:s8] =	ssyncset.done $0x0  }
0x3ec: {  	[sflag:s8] =	ssyncadd.s32 $0xFFFFFF80  }
0x3ed: {  	_ =	sfence.sel $0x180000  }
0x3ee: {  	[bflag:$0x0] =	sbarrier.arrive $0xFFFF  }
0x3ef: {  	p0 =	sne.s32 s0, $0x0;
	_ =	strace $0x90000047  }
0x3f0: {  	s0 =	sadd.s32 @!p0 $0x100000, s1;
	[bflag:$0x2] =	sbarrier.arrive $0xFFFF  }
0x3f1: {  	[sflag:s0] =	ssyncadd.tile.s32 @!p0 $0x1;
	_ =	shalt  }
.Lfunc_end2:
_tile_overlayer_lowered:
.L_overlay_start_2:
0x3f2: {  	(tag) =	ssettag $0x2  }
0x3f3: {  	s0 =	rddreg [dreg:$0x0];
	s2 =	stileid.u32  }
0x3f4: {  	s1 =	rddreg [dreg:$0x1];
	p0 =	sne.s32 s2, $0x0  }
0x3f5: {  	s3 =	rddreg [dreg:$0x2];
	[bflag:$0x3] =	sbarrier.arrive $0xFFFF;
	s2 =	simm.s32 @!p0 $0x1C02  }
0x3f6: {  	[timem:s3], [sflag:s2] =	dma.local @!p0 [hbm:s0], s1  }
0x3f7: {  	s0 =	simm.s32 @!p0 $0x2  }
0x3f8: {  	_ =	swait.ge @!p0 [sflag:s0], s1  }
0x3f9: {  	s1 =	ssub.s32 @!p0 $0x0, s1;
	[sflag:s0] =	ssyncset.done @!p0 $0x0  }
0x3fa: {  	[sflag:s0] =	ssyncadd.s32 @!p0 s1  }
0x3fb: {  	[bflag:$0x3] =	sbarrier.arrive $0xFFFF  }
0x3fc: {  	_ =	shalt  }

</sc_bundles>
